<compile_context>
chip_gen: v7x
topology: tpu7x:2x2x1
jax: 0.10.2.dev20260603
libtpu: 0.0.44.dev20260713+nightly
codegen_flags: <defaults>
</compile_context>

<pallas_src>
import functools

import jax
import jax.numpy as jnp
from jax import lax
from jax.experimental import pallas as pl
from jax.experimental.pallas import tpu as pltpu
from jax.experimental.pallas import tpu_sc as plsc

N = 10000
E = 320000
F_IN = 2
HID = 32
P = 12

NC = 2
NS = 16
NW = NC * NS
C = 128
CHUNKS = 79
E_PT = C * CHUNKS
E_PAD = E_PT * NW
D = 32
N_PAD = 10112
SLAB = N_PAD // NS

_mesh = plsc.VectorSubcoreMesh(core_axis_name="c", subcore_axis_name="s")
_sc_params = pltpu.CompilerParams(use_tc_tiling_on_sc=False)


@functools.partial(
    pl.kernel,
    mesh=_mesh,
    compiler_params=_sc_params,
    out_type=jax.ShapeDtypeStruct((NC, N_PAD, 16), jnp.float32),
    scratch_types=[
        pltpu.VMEM((C,), jnp.int32),
        pltpu.VMEM((C, 16), jnp.float32),
        pltpu.VMEM((SLAB, 16), jnp.float32),
        pltpu.VMEM_SHARED((N_PAD, 16), jnp.float32),
    ],
)
def _hist(dst_hbm, out_hbm, idx_v, ones_v, slab_v, deg_sh):
    cid = lax.axis_index("c")
    sid = lax.axis_index("s")
    wid = cid * NS + sid

    def fill_ones(i, carry):
        ones_v[i, :] = jnp.full((16,), 1.0, jnp.float32)
        return carry

    lax.fori_loop(0, C, fill_ones, 0)

    def fill_zero(i, carry):
        slab_v[i, :] = jnp.zeros((16,), jnp.float32)
        return carry

    lax.fori_loop(0, SLAB, fill_zero, 0)
    pltpu.sync_copy(slab_v, deg_sh.at[pl.ds(sid * SLAB, SLAB)])
    plsc.subcore_barrier()

    base = wid * E_PT

    def body(j, carry):
        pltpu.sync_copy(dst_hbm.at[pl.ds(base + j * C, C)], idx_v)
        pltpu.sync_copy(ones_v, deg_sh.at[idx_v], add=True)
        return carry

    lax.fori_loop(0, CHUNKS, body, 0)
    plsc.subcore_barrier()

    pltpu.sync_copy(deg_sh.at[pl.ds(sid * SLAB, SLAB)], slab_v)
    pltpu.sync_copy(slab_v, out_hbm.at[cid, pl.ds(sid * SLAB, SLAB)])


@functools.partial(
    pl.kernel,
    mesh=_mesh,
    compiler_params=_sc_params,
    out_type=jax.ShapeDtypeStruct((NC, N_PAD, D), jnp.float32),
    scratch_types=[
        pltpu.VMEM((C,), jnp.int32),
        pltpu.VMEM((C,), jnp.int32),
        pltpu.VMEM((C, D), jnp.float32),
        pltpu.VMEM((SLAB, D), jnp.float32),
        pltpu.VMEM_SHARED((N_PAD, D), jnp.float32),
        pltpu.SemaphoreType.DMA,
    ],
)
def _agg(src_hbm, dst_hbm, xp_hbm, out_hbm, sidx_v, didx_v, rows_v, slab_v,
         y_sh, sem):
    cid = lax.axis_index("c")
    sid = lax.axis_index("s")
    wid = cid * NS + sid

    def fill_zero(i, carry):
        slab_v[i, :16] = jnp.zeros((16,), jnp.float32)
        slab_v[i, 16:32] = jnp.zeros((16,), jnp.float32)
        return carry

    lax.fori_loop(0, SLAB, fill_zero, 0)
    pltpu.sync_copy(slab_v, y_sh.at[pl.ds(sid * SLAB, SLAB)])
    plsc.subcore_barrier()

    base = wid * E_PT

    def body(j, carry):
        b = base + j * C
        pltpu.sync_copy(src_hbm.at[pl.ds(b, C)], sidx_v)
        pltpu.sync_copy(dst_hbm.at[pl.ds(b, C)], didx_v)
        pltpu.async_copy(xp_hbm.at[sidx_v], rows_v, sem).wait()
        pltpu.sync_copy(rows_v, y_sh.at[didx_v], add=True)
        return carry

    lax.fori_loop(0, CHUNKS, body, 0)
    plsc.subcore_barrier()

    pltpu.sync_copy(y_sh.at[pl.ds(sid * SLAB, SLAB)], slab_v)
    pltpu.sync_copy(slab_v, out_hbm.at[cid, pl.ds(sid * SLAB, SLAB)])


def _prep_body(x24_ref, deg_ref, xp_ref):
    degc = deg_ref[0, :N, 0:1] + deg_ref[1, :N, 0:1] + 1.0
    dinv = lax.rsqrt(degc)
    xp_ref[:, 0:F_IN * P] = x24_ref[:, :] * dinv
    xp_ref[:, F_IN * P:F_IN * P + 1] = dinv
    xp_ref[:, F_IN * P + 1:D] = jnp.zeros((N, D - F_IN * P - 1), jnp.float32)


BN = 1000


def _final_body(y2_ref, xp_ref, cz_ref, czb_ref, ch_ref, chb_ref, probs_ref,
                wout_ref, bout_ref, out_ref):
    xp = xp_ref[:, :]
    dinv = xp[:, F_IN * P:F_IN * P + 1]
    scat = y2_ref[0, :, 0:F_IN * P] + y2_ref[1, :, 0:F_IN * P]
    yg = dinv * (scat + xp[:, 0:F_IN * P])
    acc = jnp.zeros((BN, HID), jnp.float32)
    for p in range(P):
        y0 = yg[:, p:p + 1]
        y1 = yg[:, P + p:P + p + 1]
        z = jax.nn.sigmoid(y0 * cz_ref[0:1, :] + y1 * cz_ref[1:2, :]
                           + czb_ref[0:1, :])
        ht = jnp.tanh(y0 * ch_ref[0:1, :] + y1 * ch_ref[1:2, :]
                      + chb_ref[0:1, :])
        acc = acc + probs_ref[0, p] * (1.0 - z) * ht
    h = jnp.maximum(acc, 0.0)
    out_ref[:, :] = lax.dot_general(
        h, wout_ref[:, :], (((1,), (0,)), ((), ())),
        preferred_element_type=jnp.float32) + bout_ref[0:1, :]


def kernel(x, edge_index, W_z, b_z, Wl_z, bl_z, W_r, b_r, Wl_r, bl_r,
           W_h, b_h, Wl_h, bl_h, att, W_out, b_out):
    src = edge_index[0]
    dst = edge_index[1]
    pad = E_PAD - E
    src_p = jnp.concatenate([src, jnp.zeros((pad,), jnp.int32)])
    dst_p = jnp.concatenate([dst, jnp.full((pad,), N, jnp.int32)])

    deg2 = _hist(dst_p)

    x24 = x.reshape(N, F_IN * P)
    xp = pl.pallas_call(
        _prep_body,
        out_shape=jax.ShapeDtypeStruct((N, D), jnp.float32),
    )(x24, deg2)

    y2 = _agg(src_p, dst_p, xp)

    Cz = W_z @ Wl_z[:HID]
    czb = (b_z @ Wl_z[:HID] + bl_z).reshape(1, HID)
    Ch = W_h @ Wl_h[:HID]
    chb = (b_h @ Wl_h[:HID] + bl_h).reshape(1, HID)
    probs = jax.nn.softmax(att).reshape(1, P)

    full = lambda s: pl.BlockSpec(s, lambda i: (0,) * len(s))
    out = pl.pallas_call(
        _final_body,
        grid=(N // BN,),
        out_shape=jax.ShapeDtypeStruct((N, P), jnp.float32),
        in_specs=[
            pl.BlockSpec((NC, BN, D), lambda i: (0, i, 0)),
            pl.BlockSpec((BN, D), lambda i: (i, 0)),
            full((F_IN, HID)),
            full((1, HID)),
            full((F_IN, HID)),
            full((1, HID)),
            pl.BlockSpec(memory_space=pltpu.SMEM),
            full((HID, P)),
            full((1, P)),
        ],
        out_specs=pl.BlockSpec((BN, P), lambda i: (i, 0)),
    )(y2, xp, Cz, czb, Ch, chb, probs, W_out, b_out.reshape(1, P))
    return out

# --- scband reference (transcript-rebuilt; emitter-appended) ---
"""Pipeline reference for scband-temporal-gnn-19971597926555 (READ-ONLY COPY).

The authoritative reference and input builder live on the scoring server;
editing this copy changes nothing except your own understanding.
"""

import jax, jax.numpy as jnp
import numpy as np

N = 10000
E = 320000
F_IN = 2
HID = 32
P = 12

def _glorot(k, shape):
    lim = float(np.sqrt(6.0 / (shape[0] + shape[1])))
    return jax.random.uniform(k, shape, jnp.float32, -lim, lim)

def setup_inputs(seed: int = 0):
    key = jax.random.key(seed)
    ks = jax.random.split(key, 20)
    inp = {}
    inp["x"] = jax.random.normal(ks[0], (N, F_IN, P), dtype=jnp.float32)
    inp["edge_index"] = jax.random.randint(ks[1], (2, E), 0, N, dtype=jnp.int32)
    inp["W_z"] = _glorot(ks[2], (F_IN, HID)); inp["b_z"] = jnp.zeros((HID,), jnp.float32)
    inp["Wl_z"] = _glorot(ks[3], (2 * HID, HID)); inp["bl_z"] = jnp.zeros((HID,), jnp.float32)
    inp["W_r"] = _glorot(ks[4], (F_IN, HID)); inp["b_r"] = jnp.zeros((HID,), jnp.float32)
    inp["Wl_r"] = _glorot(ks[5], (2 * HID, HID)); inp["bl_r"] = jnp.zeros((HID,), jnp.float32)
    inp["W_h"] = _glorot(ks[6], (F_IN, HID)); inp["b_h"] = jnp.zeros((HID,), jnp.float32)
    inp["Wl_h"] = _glorot(ks[7], (2 * HID, HID)); inp["bl_h"] = jnp.zeros((HID,), jnp.float32)
    inp["att"] = jax.random.uniform(ks[8], (P,), jnp.float32)
    inp["W_out"] = _glorot(ks[9], (HID, P)); inp["b_out"] = jnp.zeros((P,), jnp.float32)
    return inp

def reference(x, edge_index, W_z, b_z, Wl_z, bl_z, W_r, b_r, Wl_r, bl_r, W_h, b_h, Wl_h, bl_h, att, W_out, b_out):
    n = x.shape[0]
    src = edge_index[0]
    dst = edge_index[1]
    loop = jnp.arange(n, dtype=src.dtype)
    src2 = jnp.concatenate([src, loop])
    dst2 = jnp.concatenate([dst, loop])
    ew = jnp.ones((src2.shape[0],), jnp.float32)
    deg = jax.ops.segment_sum(ew, dst2, num_segments=n)
    dinv = jnp.where(deg > 0, jax.lax.rsqrt(jnp.where(deg > 0, deg, 1.0)), 0.0)
    norm = dinv[src2] * ew * dinv[dst2]

    def gcn(xp, W, b):
        h = xp @ W
        msg = norm[:, None] * h[src2]
        return jax.ops.segment_sum(msg, dst2, num_segments=n) + b

    def tgcn_cell(xp, H):
        Z = jax.nn.sigmoid(jnp.concatenate([gcn(xp, W_z, b_z), H], axis=1) @ Wl_z + bl_z)
        R = jax.nn.sigmoid(jnp.concatenate([gcn(xp, W_r, b_r), H], axis=1) @ Wl_r + bl_r)
        Ht = jnp.tanh(jnp.concatenate([gcn(xp, W_h, b_h), H * R], axis=1) @ Wl_h + bl_h)
        return Z * H + (1.0 - Z) * Ht

    probs = jax.nn.softmax(att)
    H0 = jnp.zeros((n, HID), jnp.float32)
    acc = jnp.zeros((n, HID), jnp.float32)
    for p in range(x.shape[2]):
        acc = acc + probs[p] * tgcn_cell(x[:, :, p], H0)
    h = jax.nn.relu(acc)
    return h @ W_out + b_out

if __name__ == "__main__":
    import jax
    _d = setup_inputs()
    print(jax.jit(kernel)(*tuple(_d.values())))

</pallas_src>

<mosaic_0001>
#map = affine_map<(d0, d1) -> (0)>
#map1 = affine_map<(d0, d1) -> (0, 0)>
#map2 = affine_map<(d0, d1) -> (0, 0, 0)>
module attributes {stable_mosaic.version = 14 : i64} {
  func.func @_agg(%arg0: i32, %arg1: i32, %arg2: memref<323584xi32, #tpu.memory_space<hbm>>, %arg3: memref<323584xi32, #tpu.memory_space<hbm>>, %arg4: memref<10000x32xf32, #tpu.memory_space<hbm>>, %arg5: memref<2x10112x32xf32, #tpu.memory_space<hbm>>, %arg6: memref<128xi32, #tpu.memory_space<vmem>>, %arg7: memref<128xi32, #tpu.memory_space<vmem>>, %arg8: memref<128x32xf32, #tpu.memory_space<vmem>>, %arg9: memref<632x32xf32, #tpu.memory_space<vmem>>, %arg10: memref<10112x32xf32, #tpu.memory_space<vmem_shared>>, %arg11: memref<!tpu.dma_semaphore, #tpu.memory_space<semaphore_mem>>) attributes {dimension_semantics = [#tpu.dimension_semantics<core_parallel>, #tpu.dimension_semantics<subcore_parallel>], iteration_bounds = array<i64: 2, 16>, scalar_prefetch = 0 : i64, scratch_operands = 6 : i64, tpu.core_type = #tpu.core_type<sc_vector_subcore>, window_params = [{transform_indices = #map}, {transform_indices = #map}, {transform_indices = #map1}, {transform_indices = #map2}]} {
    %mul3A = arith.constant 16 : i32
    %mul3A_0 = arith.muli %arg0, %mul3A : i32
    %add3A = arith.addi %mul3A_0, %arg1 : i32
    %scan3A = arith.constant 0 : i32
    %scan3A_1 = arith.constant 0 : i32
    %scan3A_2 = arith.constant 632 : i32
    %scan3A_3 = arith.addi %scan3A_1, %scan3A_2 : i32
    %scan3A_4 = arith.constant 1 : i32
    scf.for %scan3A_21 = %scan3A_1 to %scan3A_3 step %scan3A_4  : i32 {
      %broadcast_in_dim3A = arith.constant 0.000000e+00 : f32
      %broadcast_in_dim3A_22 = vector.broadcast %broadcast_in_dim3A : f32 to vector<16xf32>
      %swap3A = arith.index_cast %scan3A_21 : i32 to index
      %swap3A_23 = arith.constant 0 : index
      %swap3A_24 = tpu.vector_load %arg9[%swap3A, %swap3A_23] {strides = array<i32>} : memref<632x32xf32, #tpu.memory_space<vmem>>, vector<1x16xf32>,
      %swap3A_25 = vector.shape_cast %swap3A_24 : vector<1x16xf32> to vector<16xf32>
      %swap3A_26 = vector.shape_cast %broadcast_in_dim3A_22 : vector<16xf32> to vector<1x16xf32>
      tpu.vector_store %arg9[%swap3A, %swap3A_23], %swap3A_26 {strides = array<i32>} : memref<632x32xf32, #tpu.memory_space<vmem>>, vector<1x16xf32>,
      %broadcast_in_dim3A_27 = arith.constant 0.000000e+00 : f32
      %broadcast_in_dim3A_28 = vector.broadcast %broadcast_in_dim3A_27 : f32 to vector<16xf32>
      %swap3A_29 = arith.index_cast %scan3A_21 : i32 to index
      %swap3A_30 = arith.constant 16 : index
      %swap3A_31 = tpu.vector_load %arg9[%swap3A_29, %swap3A_30] {strides = array<i32>} : memref<632x32xf32, #tpu.memory_space<vmem>>, vector<1x16xf32>,
      %swap3A_32 = vector.shape_cast %swap3A_31 : vector<1x16xf32> to vector<16xf32>
      %swap3A_33 = vector.shape_cast %broadcast_in_dim3A_28 : vector<16xf32> to vector<1x16xf32>
      tpu.vector_store %arg9[%swap3A_29, %swap3A_30], %swap3A_33 {strides = array<i32>} : memref<632x32xf32, #tpu.memory_space<vmem>>, vector<1x16xf32>,
    }
    %scan3A_5 = arith.constant 632 : i32
    %mul3A_6 = arith.constant 632 : i32
    %mul3A_7 = arith.muli %arg1, %mul3A_6 : i32
    "tpu.region"() ({
      %run_scoped3A = tpu.sem_alloc : memref<!tpu.dma_semaphore, #tpu.memory_space<semaphore_mem>>
      %dma_start3A = arith.constant 0 : i32
      %dma_start3A_21 = tpu.memref_slice %arg10[%mul3A_7, %dma_start3A] : memref<10112x32xf32, #tpu.memory_space<vmem_shared>> -> memref<632x32xf32, #tpu.memory_space<vmem_shared>>
      %dma_start3A_22 = arith.constant 0 : i32
      %dma_start3A_23 = tpu.memref_slice %arg10[%mul3A_7, %dma_start3A_22] : memref<10112x32xf32, #tpu.memory_space<vmem_shared>> -> memref<632x32xf32, #tpu.memory_space<vmem_shared>>
      tpu.enqueue_dma source(%arg9 : memref<632x32xf32, #tpu.memory_space<vmem>>) target(%dma_start3A_23 : memref<632x32xf32, #tpu.memory_space<vmem_shared>>) target_semaphore(%run_scoped3A : memref<!tpu.dma_semaphore, #tpu.memory_space<semaphore_mem>>)
      %dma_wait3A = arith.constant 0 : i32
      %dma_wait3A_24 = tpu.memref_slice %arg10[%mul3A_7, %dma_wait3A] : memref<10112x32xf32, #tpu.memory_space<vmem_shared>> -> memref<632x32xf32, #tpu.memory_space<vmem_shared>>
      %dma_wait3A_25 = arith.constant 0 : i32
      %dma_wait3A_26 = tpu.memref_slice %arg10[%mul3A_7, %dma_wait3A_25] : memref<10112x32xf32, #tpu.memory_space<vmem_shared>> -> memref<632x32xf32, #tpu.memory_space<vmem_shared>>
      tpu.wait_dma2 semaphore(%run_scoped3A : memref<!tpu.dma_semaphore, #tpu.memory_space<semaphore_mem>>) src(%arg9 : memref<632x32xf32, #tpu.memory_space<vmem>>) dst(%dma_wait3A_26 : memref<632x32xf32, #tpu.memory_space<vmem_shared>>)
      tpu.yield
    }) : () -> ()
    %barrier3A = arith.constant 0 : index
    tpu.barrier barrier_id(%barrier3A)
    %mul3A_8 = arith.constant 10112 : i32
    %mul3A_9 = arith.muli %add3A, %mul3A_8 : i32
    %scan3A_10 = arith.constant 0 : i32
    %scan3A_11 = arith.constant 0 : i32
    %scan3A_12 = arith.constant 79 : i32
    %scan3A_13 = arith.addi %scan3A_11, %scan3A_12 : i32
    %scan3A_14 = arith.constant 1 : i32
    scf.for %scan3A_21 = %scan3A_11 to %scan3A_13 step %scan3A_14  : i32 {
      %mul3A_22 = arith.constant 128 : i32
      %mul3A_23 = arith.muli %scan3A_21, %mul3A_22 : i32
      %add3A_24 = arith.addi %mul3A_9, %mul3A_23 : i32
      "tpu.region"() ({
        %run_scoped3A = tpu.sem_alloc : memref<!tpu.dma_semaphore, #tpu.memory_space<semaphore_mem>>
        %dma_start3A_29 = tpu.memref_slice %arg2[%add3A_24] : memref<323584xi32, #tpu.memory_space<hbm>> -> memref<128xi32, #tpu.memory_space<hbm>>
        %dma_start3A_30 = tpu.memref_slice %arg2[%add3A_24] : memref<323584xi32, #tpu.memory_space<hbm>> -> memref<128xi32, #tpu.memory_space<hbm>>
        tpu.enqueue_dma source(%dma_start3A_30 : memref<128xi32, #tpu.memory_space<hbm>>) target(%arg6 : memref<128xi32, #tpu.memory_space<vmem>>) target_semaphore(%run_scoped3A : memref<!tpu.dma_semaphore, #tpu.memory_space<semaphore_mem>>)
        %dma_wait3A_31 = tpu.memref_slice %arg2[%add3A_24] : memref<323584xi32, #tpu.memory_space<hbm>> -> memref<128xi32, #tpu.memory_space<hbm>>
        %dma_wait3A_32 = tpu.memref_slice %arg2[%add3A_24] : memref<323584xi32, #tpu.memory_space<hbm>> -> memref<128xi32, #tpu.memory_space<hbm>>
        tpu.wait_dma2 semaphore(%run_scoped3A : memref<!tpu.dma_semaphore, #tpu.memory_space<semaphore_mem>>) src(%dma_wait3A_32 : memref<128xi32, #tpu.memory_space<hbm>>) dst(%arg6 : memref<128xi32, #tpu.memory_space<vmem>>)
        tpu.yield
      }) : () -> ()
      "tpu.region"() ({
        %run_scoped3A = tpu.sem_alloc : memref<!tpu.dma_semaphore, #tpu.memory_space<semaphore_mem>>
        %dma_start3A_29 = tpu.memref_slice %arg3[%add3A_24] : memref<323584xi32, #tpu.memory_space<hbm>> -> memref<128xi32, #tpu.memory_space<hbm>>
        %dma_start3A_30 = tpu.memref_slice %arg3[%add3A_24] : memref<323584xi32, #tpu.memory_space<hbm>> -> memref<128xi32, #tpu.memory_space<hbm>>
        tpu.enqueue_dma source(%dma_start3A_30 : memref<128xi32, #tpu.memory_space<hbm>>) target(%arg7 : memref<128xi32, #tpu.memory_space<vmem>>) target_semaphore(%run_scoped3A : memref<!tpu.dma_semaphore, #tpu.memory_space<semaphore_mem>>)
        %dma_wait3A_31 = tpu.memref_slice %arg3[%add3A_24] : memref<323584xi32, #tpu.memory_space<hbm>> -> memref<128xi32, #tpu.memory_space<hbm>>
        %dma_wait3A_32 = tpu.memref_slice %arg3[%add3A_24] : memref<323584xi32, #tpu.memory_space<hbm>> -> memref<128xi32, #tpu.memory_space<hbm>>
        tpu.wait_dma2 semaphore(%run_scoped3A : memref<!tpu.dma_semaphore, #tpu.memory_space<semaphore_mem>>) src(%dma_wait3A_32 : memref<128xi32, #tpu.memory_space<hbm>>) dst(%arg7 : memref<128xi32, #tpu.memory_space<vmem>>)
        tpu.yield
      }) : () -> ()
      %dma_start3A = arith.constant 0 : i32
      %dma_start3A_25 = arith.constant 0 : i32
      %dma_start3A_26 = tpu.memref_slice %arg4[%dma_start3A, %dma_start3A_25] : memref<10000x32xf32, #tpu.memory_space<hbm>> -> memref<10000x32xf32, #tpu.memory_space<hbm>>
      tpu.enqueue_indirect_dma source(%dma_start3A_26 : memref<10000x32xf32, #tpu.memory_space<hbm>>) target(%arg8 : memref<128x32xf32, #tpu.memory_space<vmem>>) offsets(%arg6 : memref<128xi32, #tpu.memory_space<vmem>>) semaphore(%arg11 : memref<!tpu.dma_semaphore, #tpu.memory_space<semaphore_mem>>)
      %dma_wait3A = arith.constant 0 : i32
      %dma_wait3A_27 = arith.constant 0 : i32
      %dma_wait3A_28 = tpu.memref_slice %arg4[%dma_wait3A, %dma_wait3A_27] : memref<10000x32xf32, #tpu.memory_space<hbm>> -> memref<10000x32xf32, #tpu.memory_space<hbm>>
      tpu.wait_indirect_dma semaphore(%arg11 : memref<!tpu.dma_semaphore, #tpu.memory_space<semaphore_mem>>) src(%dma_wait3A_28 : memref<10000x32xf32, #tpu.memory_space<hbm>>) dst(%arg8 : memref<128x32xf32, #tpu.memory_space<vmem>>)
      "tpu.region"() ({
        %run_scoped3A = tpu.sem_alloc : memref<!tpu.dma_semaphore, #tpu.memory_space<semaphore_mem>>
        %dma_start3A_29 = arith.constant 0 : i32
        %dma_start3A_30 = arith.constant 0 : i32
        %dma_start3A_31 = tpu.memref_slice %arg10[%dma_start3A_29, %dma_start3A_30] : memref<10112x32xf32, #tpu.memory_space<vmem_shared>> -> memref<10112x32xf32, #tpu.memory_space<vmem_shared>>
        tpu.enqueue_indirect_dma source(%arg8 : memref<128x32xf32, #tpu.memory_space<vmem>>) target(%dma_start3A_31 : memref<10112x32xf32, #tpu.memory_space<vmem_shared>>) offsets(%arg7 : memref<128xi32, #tpu.memory_space<vmem>>) semaphore(%run_scoped3A : memref<!tpu.dma_semaphore, #tpu.memory_space<semaphore_mem>>) {add = true}
        %dma_wait3A_32 = arith.constant 0 : i32
        %dma_wait3A_33 = arith.constant 0 : i32
        %dma_wait3A_34 = tpu.memref_slice %arg10[%dma_wait3A_32, %dma_wait3A_33] : memref<10112x32xf32, #tpu.memory_space<vmem_shared>> -> memref<10112x32xf32, #tpu.memory_space<vmem_shared>>
        tpu.wait_indirect_dma semaphore(%run_scoped3A : memref<!tpu.dma_semaphore, #tpu.memory_space<semaphore_mem>>) src(%arg8 : memref<128x32xf32, #tpu.memory_space<vmem>>) dst(%dma_wait3A_34 : memref<10112x32xf32, #tpu.memory_space<vmem_shared>>)
        tpu.yield
      }) : () -> ()
    }
    %scan3A_15 = arith.constant 79 : i32
    %barrier3A_16 = arith.constant 0 : index
    tpu.barrier barrier_id(%barrier3A_16)
    %mul3A_17 = arith.constant 632 : i32
    %mul3A_18 = arith.muli %arg1, %mul3A_17 : i32
    "tpu.region"() ({
      %run_scoped3A = tpu.sem_alloc : memref<!tpu.dma_semaphore, #tpu.memory_space<semaphore_mem>>
      %dma_start3A = arith.constant 0 : i32
      %dma_start3A_21 = tpu.memref_slice %arg10[%mul3A_18, %dma_start3A] : memref<10112x32xf32, #tpu.memory_space<vmem_shared>> -> memref<632x32xf32, #tpu.memory_space<vmem_shared>>
      %dma_start3A_22 = arith.constant 0 : i32
      %dma_start3A_23 = tpu.memref_slice %arg10[%mul3A_18, %dma_start3A_22] : memref<10112x32xf32, #tpu.memory_space<vmem_shared>> -> memref<632x32xf32, #tpu.memory_space<vmem_shared>>
      tpu.enqueue_dma source(%dma_start3A_23 : memref<632x32xf32, #tpu.memory_space<vmem_shared>>) target(%arg9 : memref<632x32xf32, #tpu.memory_space<vmem>>) target_semaphore(%run_scoped3A : memref<!tpu.dma_semaphore, #tpu.memory_space<semaphore_mem>>)
      %dma_wait3A = arith.constant 0 : i32
      %dma_wait3A_24 = tpu.memref_slice %arg10[%mul3A_18, %dma_wait3A] : memref<10112x32xf32, #tpu.memory_space<vmem_shared>> -> memref<632x32xf32, #tpu.memory_space<vmem_shared>>
      %dma_wait3A_25 = arith.constant 0 : i32
      %dma_wait3A_26 = tpu.memref_slice %arg10[%mul3A_18, %dma_wait3A_25] : memref<10112x32xf32, #tpu.memory_space<vmem_shared>> -> memref<632x32xf32, #tpu.memory_space<vmem_shared>>
      tpu.wait_dma2 semaphore(%run_scoped3A : memref<!tpu.dma_semaphore, #tpu.memory_space<semaphore_mem>>) src(%dma_wait3A_26 : memref<632x32xf32, #tpu.memory_space<vmem_shared>>) dst(%arg9 : memref<632x32xf32, #tpu.memory_space<vmem>>)
      tpu.yield
    }) : () -> ()
    %mul3A_19 = arith.constant 632 : i32
    %mul3A_20 = arith.muli %arg1, %mul3A_19 : i32
    "tpu.region"() ({
      %run_scoped3A = tpu.sem_alloc : memref<!tpu.dma_semaphore, #tpu.memory_space<semaphore_mem>>
      %dma_start3A = arith.constant 0 : i32
      %dma_start3A_21 = tpu.memref_slice %arg5[%arg0, %mul3A_20, %dma_start3A] : memref<2x10112x32xf32, #tpu.memory_space<hbm>> -> memref<1x632x32xf32, #tpu.memory_space<hbm>>
      %dma_start3A_22 = tpu.memref_squeeze %dma_start3A_21 : memref<1x632x32xf32, #tpu.memory_space<hbm>> -> memref<632x32xf32, #tpu.memory_space<hbm>>
      %dma_start3A_23 = arith.constant 0 : i32
      %dma_start3A_24 = tpu.memref_slice %arg5[%arg0, %mul3A_20, %dma_start3A_23] : memref<2x10112x32xf32, #tpu.memory_space<hbm>> -> memref<1x632x32xf32, #tpu.memory_space<hbm>>
      %dma_start3A_25 = tpu.memref_squeeze %dma_start3A_24 : memref<1x632x32xf32, #tpu.memory_space<hbm>> -> memref<632x32xf32, #tpu.memory_space<hbm>>
      tpu.enqueue_dma source(%arg9 : memref<632x32xf32, #tpu.memory_space<vmem>>) target(%dma_start3A_25 : memref<632x32xf32, #tpu.memory_space<hbm>>) target_semaphore(%run_scoped3A : memref<!tpu.dma_semaphore, #tpu.memory_space<semaphore_mem>>)
      %dma_wait3A = arith.constant 0 : i32
      %dma_wait3A_26 = tpu.memref_slice %arg5[%arg0, %mul3A_20, %dma_wait3A] : memref<2x10112x32xf32, #tpu.memory_space<hbm>> -> memref<1x632x32xf32, #tpu.memory_space<hbm>>
      %dma_wait3A_27 = tpu.memref_squeeze %dma_wait3A_26 : memref<1x632x32xf32, #tpu.memory_space<hbm>> -> memref<632x32xf32, #tpu.memory_space<hbm>>
      %dma_wait3A_28 = arith.constant 0 : i32
      %dma_wait3A_29 = tpu.memref_slice %arg5[%arg0, %mul3A_20, %dma_wait3A_28] : memref<2x10112x32xf32, #tpu.memory_space<hbm>> -> memref<1x632x32xf32, #tpu.memory_space<hbm>>
      %dma_wait3A_30 = tpu.memref_squeeze %dma_wait3A_29 : memref<1x632x32xf32, #tpu.memory_space<hbm>> -> memref<632x32xf32, #tpu.memory_space<hbm>>
      tpu.wait_dma2 semaphore(%run_scoped3A : memref<!tpu.dma_semaphore, #tpu.memory_space<semaphore_mem>>) src(%arg9 : memref<632x32xf32, #tpu.memory_space<vmem>>) dst(%dma_wait3A_30 : memref<632x32xf32, #tpu.memory_space<hbm>>)
      tpu.yield
    }) : () -> ()
    return
  }
}

#map = affine_map<(d0, d1) -> (0)>
#map1 = affine_map<(d0, d1) -> (0, 0, 0)>
module attributes {stable_mosaic.version = 14 : i64} {
  func.func @_hist(%arg0: i32, %arg1: i32, %arg2: memref<323584xi32, #tpu.memory_space<hbm>>, %arg3: memref<2x10112x16xf32, #tpu.memory_space<hbm>>, %arg4: memref<128xi32, #tpu.memory_space<vmem>>, %arg5: memref<128x16xf32, #tpu.memory_space<vmem>>, %arg6: memref<632x16xf32, #tpu.memory_space<vmem>>, %arg7: memref<10112x16xf32, #tpu.memory_space<vmem_shared>>) attributes {dimension_semantics = [#tpu.dimension_semantics<core_parallel>, #tpu.dimension_semantics<subcore_parallel>], iteration_bounds = array<i64: 2, 16>, scalar_prefetch = 0 : i64, scratch_operands = 4 : i64, tpu.core_type = #tpu.core_type<sc_vector_subcore>, window_params = [{transform_indices = #map}, {transform_indices = #map1}]} {
    %mul3A = arith.constant 16 : i32
    %mul3A_0 = arith.muli %arg0, %mul3A : i32
    %add3A = arith.addi %mul3A_0, %arg1 : i32
    %scan3A = arith.constant 0 : i32
    %scan3A_1 = arith.constant 0 : i32
    %scan3A_2 = arith.constant 128 : i32
    %scan3A_3 = arith.addi %scan3A_1, %scan3A_2 : i32
    %scan3A_4 = arith.constant 1 : i32
    scf.for %scan3A_27 = %scan3A_1 to %scan3A_3 step %scan3A_4  : i32 {
      %broadcast_in_dim3A = arith.constant 1.000000e+00 : f32
      %broadcast_in_dim3A_28 = vector.broadcast %broadcast_in_dim3A : f32 to vector<16xf32>
      %swap3A = arith.index_cast %scan3A_27 : i32 to index
      %swap3A_29 = arith.constant 0 : index
      %swap3A_30 = tpu.vector_load %arg5[%swap3A, %swap3A_29] {strides = array<i32>} : memref<128x16xf32, #tpu.memory_space<vmem>>, vector<1x16xf32>,
      %swap3A_31 = vector.shape_cast %swap3A_30 : vector<1x16xf32> to vector<16xf32>
      %swap3A_32 = vector.shape_cast %broadcast_in_dim3A_28 : vector<16xf32> to vector<1x16xf32>
      tpu.vector_store %arg5[%swap3A, %swap3A_29], %swap3A_32 {strides = array<i32>} : memref<128x16xf32, #tpu.memory_space<vmem>>, vector<1x16xf32>,
    }
    %scan3A_5 = arith.constant 128 : i32
    %scan3A_6 = arith.constant 0 : i32
    %scan3A_7 = arith.constant 0 : i32
    %scan3A_8 = arith.constant 632 : i32
    %scan3A_9 = arith.addi %scan3A_7, %scan3A_8 : i32
    %scan3A_10 = arith.constant 1 : i32
    scf.for %scan3A_27 = %scan3A_7 to %scan3A_9 step %scan3A_10  : i32 {
      %broadcast_in_dim3A = arith.constant 0.000000e+00 : f32
      %broadcast_in_dim3A_28 = vector.broadcast %broadcast_in_dim3A : f32 to vector<16xf32>
      %swap3A = arith.index_cast %scan3A_27 : i32 to index
      %swap3A_29 = arith.constant 0 : index
      %swap3A_30 = tpu.vector_load %arg6[%swap3A, %swap3A_29] {strides = array<i32>} : memref<632x16xf32, #tpu.memory_space<vmem>>, vector<1x16xf32>,
      %swap3A_31 = vector.shape_cast %swap3A_30 : vector<1x16xf32> to vector<16xf32>
      %swap3A_32 = vector.shape_cast %broadcast_in_dim3A_28 : vector<16xf32> to vector<1x16xf32>
      tpu.vector_store %arg6[%swap3A, %swap3A_29], %swap3A_32 {strides = array<i32>} : memref<632x16xf32, #tpu.memory_space<vmem>>, vector<1x16xf32>,
    }
    %scan3A_11 = arith.constant 632 : i32
    %mul3A_12 = arith.constant 632 : i32
    %mul3A_13 = arith.muli %arg1, %mul3A_12 : i32
    "tpu.region"() ({
      %run_scoped3A = tpu.sem_alloc : memref<!tpu.dma_semaphore, #tpu.memory_space<semaphore_mem>>
      %dma_start3A = arith.constant 0 : i32
      %dma_start3A_27 = tpu.memref_slice %arg7[%mul3A_13, %dma_start3A] : memref<10112x16xf32, #tpu.memory_space<vmem_shared>> -> memref<632x16xf32, #tpu.memory_space<vmem_shared>>
      %dma_start3A_28 = arith.constant 0 : i32
      %dma_start3A_29 = tpu.memref_slice %arg7[%mul3A_13, %dma_start3A_28] : memref<10112x16xf32, #tpu.memory_space<vmem_shared>> -> memref<632x16xf32, #tpu.memory_space<vmem_shared>>
      tpu.enqueue_dma source(%arg6 : memref<632x16xf32, #tpu.memory_space<vmem>>) target(%dma_start3A_29 : memref<632x16xf32, #tpu.memory_space<vmem_shared>>) target_semaphore(%run_scoped3A : memref<!tpu.dma_semaphore, #tpu.memory_space<semaphore_mem>>)
      %dma_wait3A = arith.constant 0 : i32
      %dma_wait3A_30 = tpu.memref_slice %arg7[%mul3A_13, %dma_wait3A] : memref<10112x16xf32, #tpu.memory_space<vmem_shared>> -> memref<632x16xf32, #tpu.memory_space<vmem_shared>>
      %dma_wait3A_31 = arith.constant 0 : i32
      %dma_wait3A_32 = tpu.memref_slice %arg7[%mul3A_13, %dma_wait3A_31] : memref<10112x16xf32, #tpu.memory_space<vmem_shared>> -> memref<632x16xf32, #tpu.memory_space<vmem_shared>>
      tpu.wait_dma2 semaphore(%run_scoped3A : memref<!tpu.dma_semaphore, #tpu.memory_space<semaphore_mem>>) src(%arg6 : memref<632x16xf32, #tpu.memory_space<vmem>>) dst(%dma_wait3A_32 : memref<632x16xf32, #tpu.memory_space<vmem_shared>>)
      tpu.yield
    }) : () -> ()
    %barrier3A = arith.constant 0 : index
    tpu.barrier barrier_id(%barrier3A)
    %mul3A_14 = arith.constant 10112 : i32
    %mul3A_15 = arith.muli %add3A, %mul3A_14 : i32
    %scan3A_16 = arith.constant 0 : i32
    %scan3A_17 = arith.constant 0 : i32
    %scan3A_18 = arith.constant 79 : i32
    %scan3A_19 = arith.addi %scan3A_17, %scan3A_18 : i32
    %scan3A_20 = arith.constant 1 : i32
    scf.for %scan3A_27 = %scan3A_17 to %scan3A_19 step %scan3A_20  : i32 {
      %mul3A_28 = arith.constant 128 : i32
      %mul3A_29 = arith.muli %scan3A_27, %mul3A_28 : i32
      %add3A_30 = arith.addi %mul3A_15, %mul3A_29 : i32
      "tpu.region"() ({
        %run_scoped3A = tpu.sem_alloc : memref<!tpu.dma_semaphore, #tpu.memory_space<semaphore_mem>>
        %dma_start3A = tpu.memref_slice %arg2[%add3A_30] : memref<323584xi32, #tpu.memory_space<hbm>> -> memref<128xi32, #tpu.memory_space<hbm>>
        %dma_start3A_31 = tpu.memref_slice %arg2[%add3A_30] : memref<323584xi32, #tpu.memory_space<hbm>> -> memref<128xi32, #tpu.memory_space<hbm>>
        tpu.enqueue_dma source(%dma_start3A_31 : memref<128xi32, #tpu.memory_space<hbm>>) target(%arg4 : memref<128xi32, #tpu.memory_space<vmem>>) target_semaphore(%run_scoped3A : memref<!tpu.dma_semaphore, #tpu.memory_space<semaphore_mem>>)
        %dma_wait3A = tpu.memref_slice %arg2[%add3A_30] : memref<323584xi32, #tpu.memory_space<hbm>> -> memref<128xi32, #tpu.memory_space<hbm>>
        %dma_wait3A_32 = tpu.memref_slice %arg2[%add3A_30] : memref<323584xi32, #tpu.memory_space<hbm>> -> memref<128xi32, #tpu.memory_space<hbm>>
        tpu.wait_dma2 semaphore(%run_scoped3A : memref<!tpu.dma_semaphore, #tpu.memory_space<semaphore_mem>>) src(%dma_wait3A_32 : memref<128xi32, #tpu.memory_space<hbm>>) dst(%arg4 : memref<128xi32, #tpu.memory_space<vmem>>)
        tpu.yield
      }) : () -> ()
      "tpu.region"() ({
        %run_scoped3A = tpu.sem_alloc : memref<!tpu.dma_semaphore, #tpu.memory_space<semaphore_mem>>
        %dma_start3A = arith.constant 0 : i32
        %dma_start3A_31 = arith.constant 0 : i32
        %dma_start3A_32 = tpu.memref_slice %arg7[%dma_start3A, %dma_start3A_31] : memref<10112x16xf32, #tpu.memory_space<vmem_shared>> -> memref<10112x16xf32, #tpu.memory_space<vmem_shared>>
        tpu.enqueue_indirect_dma source(%arg5 : memref<128x16xf32, #tpu.memory_space<vmem>>) target(%dma_start3A_32 : memref<10112x16xf32, #tpu.memory_space<vmem_shared>>) offsets(%arg4 : memref<128xi32, #tpu.memory_space<vmem>>) semaphore(%run_scoped3A : memref<!tpu.dma_semaphore, #tpu.memory_space<semaphore_mem>>) {add = true}
        %dma_wait3A = arith.constant 0 : i32
        %dma_wait3A_33 = arith.constant 0 : i32
        %dma_wait3A_34 = tpu.memref_slice %arg7[%dma_wait3A, %dma_wait3A_33] : memref<10112x16xf32, #tpu.memory_space<vmem_shared>> -> memref<10112x16xf32, #tpu.memory_space<vmem_shared>>
        tpu.wait_indirect_dma semaphore(%run_scoped3A : memref<!tpu.dma_semaphore, #tpu.memory_space<semaphore_mem>>) src(%arg5 : memref<128x16xf32, #tpu.memory_space<vmem>>) dst(%dma_wait3A_34 : memref<10112x16xf32, #tpu.memory_space<vmem_shared>>)
        tpu.yield
      }) : () -> ()
    }
    %scan3A_21 = arith.constant 79 : i32
    %barrier3A_22 = arith.constant 0 : index
    tpu.barrier barrier_id(%barrier3A_22)
    %mul3A_23 = arith.constant 632 : i32
    %mul3A_24 = arith.muli %arg1, %mul3A_23 : i32
    "tpu.region"() ({
      %run_scoped3A = tpu.sem_alloc : memref<!tpu.dma_semaphore, #tpu.memory_space<semaphore_mem>>
      %dma_start3A = arith.constant 0 : i32
      %dma_start3A_27 = tpu.memref_slice %arg7[%mul3A_24, %dma_start3A] : memref<10112x16xf32, #tpu.memory_space<vmem_shared>> -> memref<632x16xf32, #tpu.memory_space<vmem_shared>>
      %dma_start3A_28 = arith.constant 0 : i32
      %dma_start3A_29 = tpu.memref_slice %arg7[%mul3A_24, %dma_start3A_28] : memref<10112x16xf32, #tpu.memory_space<vmem_shared>> -> memref<632x16xf32, #tpu.memory_space<vmem_shared>>
      tpu.enqueue_dma source(%dma_start3A_29 : memref<632x16xf32, #tpu.memory_space<vmem_shared>>) target(%arg6 : memref<632x16xf32, #tpu.memory_space<vmem>>) target_semaphore(%run_scoped3A : memref<!tpu.dma_semaphore, #tpu.memory_space<semaphore_mem>>)
      %dma_wait3A = arith.constant 0 : i32
      %dma_wait3A_30 = tpu.memref_slice %arg7[%mul3A_24, %dma_wait3A] : memref<10112x16xf32, #tpu.memory_space<vmem_shared>> -> memref<632x16xf32, #tpu.memory_space<vmem_shared>>
      %dma_wait3A_31 = arith.constant 0 : i32
      %dma_wait3A_32 = tpu.memref_slice %arg7[%mul3A_24, %dma_wait3A_31] : memref<10112x16xf32, #tpu.memory_space<vmem_shared>> -> memref<632x16xf32, #tpu.memory_space<vmem_shared>>
      tpu.wait_dma2 semaphore(%run_scoped3A : memref<!tpu.dma_semaphore, #tpu.memory_space<semaphore_mem>>) src(%dma_wait3A_32 : memref<632x16xf32, #tpu.memory_space<vmem_shared>>) dst(%arg6 : memref<632x16xf32, #tpu.memory_space<vmem>>)
      tpu.yield
    }) : () -> ()
    %mul3A_25 = arith.constant 632 : i32
    %mul3A_26 = arith.muli %arg1, %mul3A_25 : i32
    "tpu.region"() ({
      %run_scoped3A = tpu.sem_alloc : memref<!tpu.dma_semaphore, #tpu.memory_space<semaphore_mem>>
      %dma_start3A = arith.constant 0 : i32
      %dma_start3A_27 = tpu.memref_slice %arg3[%arg0, %mul3A_26, %dma_start3A] : memref<2x10112x16xf32, #tpu.memory_space<hbm>> -> memref<1x632x16xf32, #tpu.memory_space<hbm>>
      %dma_start3A_28 = tpu.memref_squeeze %dma_start3A_27 : memref<1x632x16xf32, #tpu.memory_space<hbm>> -> memref<632x16xf32, #tpu.memory_space<hbm>>
      %dma_start3A_29 = arith.constant 0 : i32
      %dma_start3A_30 = tpu.memref_slice %arg3[%arg0, %mul3A_26, %dma_start3A_29] : memref<2x10112x16xf32, #tpu.memory_space<hbm>> -> memref<1x632x16xf32, #tpu.memory_space<hbm>>
      %dma_start3A_31 = tpu.memref_squeeze %dma_start3A_30 : memref<1x632x16xf32, #tpu.memory_space<hbm>> -> memref<632x16xf32, #tpu.memory_space<hbm>>
      tpu.enqueue_dma source(%arg6 : memref<632x16xf32, #tpu.memory_space<vmem>>) target(%dma_start3A_31 : memref<632x16xf32, #tpu.memory_space<hbm>>) target_semaphore(%run_scoped3A : memref<!tpu.dma_semaphore, #tpu.memory_space<semaphore_mem>>)
      %dma_wait3A = arith.constant 0 : i32
      %dma_wait3A_32 = tpu.memref_slice %arg3[%arg0, %mul3A_26, %dma_wait3A] : memref<2x10112x16xf32, #tpu.memory_space<hbm>> -> memref<1x632x16xf32, #tpu.memory_space<hbm>>
      %dma_wait3A_33 = tpu.memref_squeeze %dma_wait3A_32 : memref<1x632x16xf32, #tpu.memory_space<hbm>> -> memref<632x16xf32, #tpu.memory_space<hbm>>
      %dma_wait3A_34 = arith.constant 0 : i32
      %dma_wait3A_35 = tpu.memref_slice %arg3[%arg0, %mul3A_26, %dma_wait3A_34] : memref<2x10112x16xf32, #tpu.memory_space<hbm>> -> memref<1x632x16xf32, #tpu.memory_space<hbm>>
      %dma_wait3A_36 = tpu.memref_squeeze %dma_wait3A_35 : memref<1x632x16xf32, #tpu.memory_space<hbm>> -> memref<632x16xf32, #tpu.memory_space<hbm>>
      tpu.wait_dma2 semaphore(%run_scoped3A : memref<!tpu.dma_semaphore, #tpu.memory_space<semaphore_mem>>) src(%arg6 : memref<632x16xf32, #tpu.memory_space<vmem>>) dst(%dma_wait3A_36 : memref<632x16xf32, #tpu.memory_space<hbm>>)
      tpu.yield
    }) : () -> ()
    return
  }
}

module attributes {stable_mosaic.version = 14 : i64} {
  func.func @_prep_body(%arg0: memref<10000x24xf32, #tpu.memory_space<vmem>>, %arg1: memref<2x10112x16xf32, #tpu.memory_space<vmem>>, %arg2: memref<10000x32xf32, #tpu.memory_space<vmem>>) attributes {dimension_semantics = [], scalar_prefetch = 0 : i64, scratch_operands = 0 : i64, tpu.core_type = #tpu.core_type<tc>} {
    %get3A = arith.constant 0 : index
    %get3A_0 = arith.constant 0 : index
    %get3A_1 = arith.constant 0 : index
    %get3A_2 = vector.load %arg1[%get3A, %get3A_0, %get3A_1] : memref<2x10112x16xf32, #tpu.memory_space<vmem>>, vector<1x10000x1xf32>
    %get3A_3 = vector.shape_cast %get3A_2 : vector<1x10000x1xf32> to vector<10000x1xf32>
    %get3A_4 = arith.constant 1 : index
    %get3A_5 = arith.constant 0 : index
    %get3A_6 = arith.constant 0 : index
    %get3A_7 = vector.load %arg1[%get3A_4, %get3A_5, %get3A_6] : memref<2x10112x16xf32, #tpu.memory_space<vmem>>, vector<1x10000x1xf32>
    %get3A_8 = vector.shape_cast %get3A_7 : vector<1x10000x1xf32> to vector<10000x1xf32>
    %add3A = arith.addf %get3A_3, %get3A_8 : vector<10000x1xf32>
    %add3A_9 = arith.constant 1.000000e+00 : f32
    %add3A_10 = vector.broadcast %add3A_9 : f32 to vector<10000x1xf32>
    %add3A_11 = arith.addf %add3A, %add3A_10 : vector<10000x1xf32>
    %rsqrt3A = math.rsqrt %add3A_11 : vector<10000x1xf32>
    %get3A_12 = arith.constant 0 : index
    %get3A_13 = arith.constant 0 : index
    %get3A_14 = vector.load %arg0[%get3A_12, %get3A_13] : memref<10000x24xf32, #tpu.memory_space<vmem>>, vector<10000x24xf32>
    %mul3A = vector.broadcast %rsqrt3A : vector<10000x1xf32> to vector<10000x24xf32>
    %mul3A_15 = arith.mulf %get3A_14, %mul3A : vector<10000x24xf32>
    %swap3A = arith.constant 0 : index
    %swap3A_16 = arith.constant 0 : index
    %swap3A_17 = vector.load %arg2[%swap3A, %swap3A_16] : memref<10000x32xf32, #tpu.memory_space<vmem>>, vector<10000x24xf32>
    tpu.vector_store %arg2[%swap3A, %swap3A_16], %mul3A_15 {strides = array<i32>} : memref<10000x32xf32, #tpu.memory_space<vmem>>, vector<10000x24xf32>,
    %swap3A_18 = arith.constant 0 : index
    %swap3A_19 = arith.constant 24 : index
    %swap3A_20 = vector.load %arg2[%swap3A_18, %swap3A_19] : memref<10000x32xf32, #tpu.memory_space<vmem>>, vector<10000x1xf32>
    tpu.vector_store %arg2[%swap3A_18, %swap3A_19], %rsqrt3A {strides = array<i32>} : memref<10000x32xf32, #tpu.memory_space<vmem>>, vector<10000x1xf32>,
    %broadcast_in_dim3A = arith.constant 0.000000e+00 : f32
    %broadcast_in_dim3A_21 = vector.broadcast %broadcast_in_dim3A : f32 to vector<10000x7xf32>
    %swap3A_22 = arith.constant 0 : index
    %swap3A_23 = arith.constant 25 : index
    %swap3A_24 = vector.load %arg2[%swap3A_22, %swap3A_23] : memref<10000x32xf32, #tpu.memory_space<vmem>>, vector<10000x7xf32>
    tpu.vector_store %arg2[%swap3A_22, %swap3A_23], %broadcast_in_dim3A_21 {strides = array<i32>} : memref<10000x32xf32, #tpu.memory_space<vmem>>, vector<10000x7xf32>,
    return
  }
}

module attributes {stable_mosaic.version = 14 : i64} {
  func.func @_final_body(%arg0: i32, %arg1: memref<2x1000x32xf32, #tpu.memory_space<vmem>>, %arg2: memref<1000x32xf32, #tpu.memory_space<vmem>>, %arg3: memref<2x32xf32, #tpu.memory_space<vmem>>, %arg4: memref<1x32xf32, #tpu.memory_space<vmem>>, %arg5: memref<2x32xf32, #tpu.memory_space<vmem>>, %arg6: memref<1x32xf32, #tpu.memory_space<vmem>>, %arg7: memref<1x12xf32, #tpu.memory_space<smem>>, %arg8: memref<32x12xf32, #tpu.memory_space<vmem>>, %arg9: memref<1x12xf32, #tpu.memory_space<vmem>>, %arg10: memref<1000x12xf32, #tpu.memory_space<vmem>>) attributes {dimension_semantics = [#tpu.dimension_semantics<arbitrary>], iteration_bounds = array<i64: 10>, scalar_prefetch = 0 : i64, scratch_operands = 0 : i64, tpu.core_type = #tpu.core_type<tc>, window_params = [{transform_indices = @transform_0, window_bounds = array<i64: 2, 1000, 32>}, {transform_indices = @transform_1, window_bounds = array<i64: 1000, 32>}, {pipeline_mode = #tpu.pipeline_mode<synchronous>, transform_indices = @transform_2, window_bounds = array<i64: 2, 32>}, {pipeline_mode = #tpu.pipeline_mode<synchronous>, transform_indices = @transform_3, window_bounds = array<i64: 1, 32>}, {pipeline_mode = #tpu.pipeline_mode<synchronous>, transform_indices = @transform_4, window_bounds = array<i64: 2, 32>}, {pipeline_mode = #tpu.pipeline_mode<synchronous>, transform_indices = @transform_5, window_bounds = array<i64: 1, 32>}, {transform_indices = @transform_6, window_bounds = array<i64: 1, 12>}, {pipeline_mode = #tpu.pipeline_mode<synchronous>, transform_indices = @transform_7, window_bounds = array<i64: 32, 12>}, {pipeline_mode = #tpu.pipeline_mode<synchronous>, transform_indices = @transform_8, window_bounds = array<i64: 1, 12>}, {transform_indices = @transform_9, window_bounds = array<i64: 1000, 12>}]} {
    %get3A = arith.constant 0 : index
    %get3A_0 = arith.constant 0 : index
    %get3A_1 = vector.load %arg2[%get3A, %get3A_0] : memref<1000x32xf32, #tpu.memory_space<vmem>>, vector<1000x32xf32>
    %slice3A = vector.extract_strided_slice %get3A_1 {offsets = [0, 24], sizes = [1000, 1], strides = [1, 1]} : vector<1000x32xf32> to vector<1000x1xf32>
    %get3A_2 = arith.constant 0 : index
    %get3A_3 = arith.constant 0 : index
    %get3A_4 = arith.constant 0 : index
    %get3A_5 = vector.load %arg1[%get3A_2, %get3A_3, %get3A_4] : memref<2x1000x32xf32, #tpu.memory_space<vmem>>, vector<1x1000x24xf32>
    %get3A_6 = vector.shape_cast %get3A_5 : vector<1x1000x24xf32> to vector<1000x24xf32>
    %get3A_7 = arith.constant 1 : index
    %get3A_8 = arith.constant 0 : index
    %get3A_9 = arith.constant 0 : index
    %get3A_10 = vector.load %arg1[%get3A_7, %get3A_8, %get3A_9] : memref<2x1000x32xf32, #tpu.memory_space<vmem>>, vector<1x1000x24xf32>
    %get3A_11 = vector.shape_cast %get3A_10 : vector<1x1000x24xf32> to vector<1000x24xf32>
    %add3A = arith.addf %get3A_6, %get3A_11 : vector<1000x24xf32>
    %slice3A_12 = vector.extract_strided_slice %get3A_1 {offsets = [0, 0], sizes = [1000, 24], strides = [1, 1]} : vector<1000x32xf32> to vector<1000x24xf32>
    %add3A_13 = arith.addf %add3A, %slice3A_12 : vector<1000x24xf32>
    %mul3A = vector.broadcast %slice3A : vector<1000x1xf32> to vector<1000x24xf32>
    %mul3A_14 = arith.mulf %mul3A, %add3A_13 : vector<1000x24xf32>
    %broadcast_in_dim3A = arith.constant 0.000000e+00 : f32
    %broadcast_in_dim3A_15 = vector.broadcast %broadcast_in_dim3A : f32 to vector<1000x32xf32>
    %slice3A_16 = vector.extract_strided_slice %mul3A_14 {offsets = [0, 0], sizes = [1000, 1], strides = [1, 1]} : vector<1000x24xf32> to vector<1000x1xf32>
    %slice3A_17 = vector.extract_strided_slice %mul3A_14 {offsets = [0, 12], sizes = [1000, 1], strides = [1, 1]} : vector<1000x24xf32> to vector<1000x1xf32>
    %get3A_18 = arith.constant 0 : index
    %get3A_19 = arith.constant 0 : index
    %get3A_20 = vector.load %arg3[%get3A_18, %get3A_19] : memref<2x32xf32, #tpu.memory_space<vmem>>, vector<1x32xf32>
    %mul3A_21 = vector.broadcast %slice3A_16 : vector<1000x1xf32> to vector<1000x32xf32>
    %mul3A_22 = vector.broadcast %get3A_20 : vector<1x32xf32> to vector<1000x32xf32>
    %mul3A_23 = arith.mulf %mul3A_21, %mul3A_22 : vector<1000x32xf32>
    %get3A_24 = arith.constant 1 : index
    %get3A_25 = arith.constant 0 : index
    %get3A_26 = vector.load %arg3[%get3A_24, %get3A_25] : memref<2x32xf32, #tpu.memory_space<vmem>>, vector<1x32xf32>
    %mul3A_27 = vector.broadcast %slice3A_17 : vector<1000x1xf32> to vector<1000x32xf32>
    %mul3A_28 = vector.broadcast %get3A_26 : vector<1x32xf32> to vector<1000x32xf32>
    %mul3A_29 = arith.mulf %mul3A_27, %mul3A_28 : vector<1000x32xf32>
    %add3A_30 = arith.addf %mul3A_23, %mul3A_29 : vector<1000x32xf32>
    %get3A_31 = arith.constant 0 : index
    %get3A_32 = arith.constant 0 : index
    %get3A_33 = vector.load %arg4[%get3A_31, %get3A_32] : memref<1x32xf32, #tpu.memory_space<vmem>>, vector<1x32xf32>
    %add3A_34 = vector.broadcast %get3A_33 : vector<1x32xf32> to vector<1000x32xf32>
    %add3A_35 = arith.addf %add3A_30, %add3A_34 : vector<1000x32xf32>
    %logistic3A = arith.negf %add3A_35 : vector<1000x32xf32>
    %logistic3A_36 = math.exp %logistic3A : vector<1000x32xf32>
    %logistic3A_37 = arith.constant 1.000000e+00 : f32
    %logistic3A_38 = vector.broadcast %logistic3A_37 : f32 to vector<1000x32xf32>
    %logistic3A_39 = arith.addf %logistic3A_38, %logistic3A_36 : vector<1000x32xf32>
    %logistic3A_40 = arith.divf %logistic3A_38, %logistic3A_39 : vector<1000x32xf32>
    %get3A_41 = arith.constant 0 : index
    %get3A_42 = arith.constant 0 : index
    %get3A_43 = vector.load %arg5[%get3A_41, %get3A_42] : memref<2x32xf32, #tpu.memory_space<vmem>>, vector<1x32xf32>
    %mul3A_44 = vector.broadcast %slice3A_16 : vector<1000x1xf32> to vector<1000x32xf32>
    %mul3A_45 = vector.broadcast %get3A_43 : vector<1x32xf32> to vector<1000x32xf32>
    %mul3A_46 = arith.mulf %mul3A_44, %mul3A_45 : vector<1000x32xf32>
    %get3A_47 = arith.constant 1 : index
    %get3A_48 = arith.constant 0 : index
    %get3A_49 = vector.load %arg5[%get3A_47, %get3A_48] : memref<2x32xf32, #tpu.memory_space<vmem>>, vector<1x32xf32>
    %mul3A_50 = vector.broadcast %slice3A_17 : vector<1000x1xf32> to vector<1000x32xf32>
    %mul3A_51 = vector.broadcast %get3A_49 : vector<1x32xf32> to vector<1000x32xf32>
    %mul3A_52 = arith.mulf %mul3A_50, %mul3A_51 : vector<1000x32xf32>
    %add3A_53 = arith.addf %mul3A_46, %mul3A_52 : vector<1000x32xf32>
    %get3A_54 = arith.constant 0 : index
    %get3A_55 = arith.constant 0 : index
    %get3A_56 = vector.load %arg6[%get3A_54, %get3A_55] : memref<1x32xf32, #tpu.memory_space<vmem>>, vector<1x32xf32>
    %add3A_57 = vector.broadcast %get3A_56 : vector<1x32xf32> to vector<1000x32xf32>
    %add3A_58 = arith.addf %add3A_53, %add3A_57 : vector<1000x32xf32>
    %tanh3A = math.tanh %add3A_58 : vector<1000x32xf32>
    %get3A_59 = arith.constant 0 : index
    %get3A_60 = arith.constant 0 : index
    %get3A_61 = memref.load %arg7[%get3A_59, %get3A_60] : memref<1x12xf32, #tpu.memory_space<smem>>
    %sub3A = arith.constant 1.000000e+00 : f32
    %sub3A_62 = vector.broadcast %sub3A : f32 to vector<1000x32xf32>
    %sub3A_63 = arith.subf %sub3A_62, %logistic3A_40 : vector<1000x32xf32>
    %mul3A_64 = vector.broadcast %get3A_61 : f32 to vector<1000x32xf32>
    %mul3A_65 = arith.mulf %mul3A_64, %sub3A_63 : vector<1000x32xf32>
    %mul3A_66 = arith.mulf %mul3A_65, %tanh3A : vector<1000x32xf32>
    %add3A_67 = arith.addf %broadcast_in_dim3A_15, %mul3A_66 : vector<1000x32xf32>
    %slice3A_68 = vector.extract_strided_slice %mul3A_14 {offsets = [0, 1], sizes = [1000, 1], strides = [1, 1]} : vector<1000x24xf32> to vector<1000x1xf32>
    %slice3A_69 = vector.extract_strided_slice %mul3A_14 {offsets = [0, 13], sizes = [1000, 1], strides = [1, 1]} : vector<1000x24xf32> to vector<1000x1xf32>
    %get3A_70 = arith.constant 0 : index
    %get3A_71 = arith.constant 0 : index
    %get3A_72 = vector.load %arg3[%get3A_70, %get3A_71] : memref<2x32xf32, #tpu.memory_space<vmem>>, vector<1x32xf32>
    %mul3A_73 = vector.broadcast %slice3A_68 : vector<1000x1xf32> to vector<1000x32xf32>
    %mul3A_74 = vector.broadcast %get3A_72 : vector<1x32xf32> to vector<1000x32xf32>
    %mul3A_75 = arith.mulf %mul3A_73, %mul3A_74 : vector<1000x32xf32>
    %get3A_76 = arith.constant 1 : index
    %get3A_77 = arith.constant 0 : index
    %get3A_78 = vector.load %arg3[%get3A_76, %get3A_77] : memref<2x32xf32, #tpu.memory_space<vmem>>, vector<1x32xf32>
    %mul3A_79 = vector.broadcast %slice3A_69 : vector<1000x1xf32> to vector<1000x32xf32>
    %mul3A_80 = vector.broadcast %get3A_78 : vector<1x32xf32> to vector<1000x32xf32>
    %mul3A_81 = arith.mulf %mul3A_79, %mul3A_80 : vector<1000x32xf32>
    %add3A_82 = arith.addf %mul3A_75, %mul3A_81 : vector<1000x32xf32>
    %get3A_83 = arith.constant 0 : index
    %get3A_84 = arith.constant 0 : index
    %get3A_85 = vector.load %arg4[%get3A_83, %get3A_84] : memref<1x32xf32, #tpu.memory_space<vmem>>, vector<1x32xf32>
    %add3A_86 = vector.broadcast %get3A_85 : vector<1x32xf32> to vector<1000x32xf32>
    %add3A_87 = arith.addf %add3A_82, %add3A_86 : vector<1000x32xf32>
    %logistic3A_88 = arith.negf %add3A_87 : vector<1000x32xf32>
    %logistic3A_89 = math.exp %logistic3A_88 : vector<1000x32xf32>
    %logistic3A_90 = arith.constant 1.000000e+00 : f32
    %logistic3A_91 = vector.broadcast %logistic3A_90 : f32 to vector<1000x32xf32>
    %logistic3A_92 = arith.addf %logistic3A_91, %logistic3A_89 : vector<1000x32xf32>
    %logistic3A_93 = arith.divf %logistic3A_91, %logistic3A_92 : vector<1000x32xf32>
    %get3A_94 = arith.constant 0 : index
    %get3A_95 = arith.constant 0 : index
    %get3A_96 = vector.load %arg5[%get3A_94, %get3A_95] : memref<2x32xf32, #tpu.memory_space<vmem>>, vector<1x32xf32>
    %mul3A_97 = vector.broadcast %slice3A_68 : vector<1000x1xf32> to vector<1000x32xf32>
    %mul3A_98 = vector.broadcast %get3A_96 : vector<1x32xf32> to vector<1000x32xf32>
    %mul3A_99 = arith.mulf %mul3A_97, %mul3A_98 : vector<1000x32xf32>
    %get3A_100 = arith.constant 1 : index
    %get3A_101 = arith.constant 0 : index
    %get3A_102 = vector.load %arg5[%get3A_100, %get3A_101] : memref<2x32xf32, #tpu.memory_space<vmem>>, vector<1x32xf32>
    %mul3A_103 = vector.broadcast %slice3A_69 : vector<1000x1xf32> to vector<1000x32xf32>
    %mul3A_104 = vector.broadcast %get3A_102 : vector<1x32xf32> to vector<1000x32xf32>
    %mul3A_105 = arith.mulf %mul3A_103, %mul3A_104 : vector<1000x32xf32>
    %add3A_106 = arith.addf %mul3A_99, %mul3A_105 : vector<1000x32xf32>
    %get3A_107 = arith.constant 0 : index
    %get3A_108 = arith.constant 0 : index
    %get3A_109 = vector.load %arg6[%get3A_107, %get3A_108] : memref<1x32xf32, #tpu.memory_space<vmem>>, vector<1x32xf32>
    %add3A_110 = vector.broadcast %get3A_109 : vector<1x32xf32> to vector<1000x32xf32>
    %add3A_111 = arith.addf %add3A_106, %add3A_110 : vector<1000x32xf32>
    %tanh3A_112 = math.tanh %add3A_111 : vector<1000x32xf32>
    %get3A_113 = arith.constant 0 : index
    %get3A_114 = arith.constant 1 : index
    %get3A_115 = memref.load %arg7[%get3A_113, %get3A_114] : memref<1x12xf32, #tpu.memory_space<smem>>
    %sub3A_116 = arith.constant 1.000000e+00 : f32
    %sub3A_117 = vector.broadcast %sub3A_116 : f32 to vector<1000x32xf32>
    %sub3A_118 = arith.subf %sub3A_117, %logistic3A_93 : vector<1000x32xf32>
    %mul3A_119 = vector.broadcast %get3A_115 : f32 to vector<1000x32xf32>
    %mul3A_120 = arith.mulf %mul3A_119, %sub3A_118 : vector<1000x32xf32>
    %mul3A_121 = arith.mulf %mul3A_120, %tanh3A_112 : vector<1000x32xf32>
    %add3A_122 = arith.addf %add3A_67, %mul3A_121 : vector<1000x32xf32>
    %slice3A_123 = vector.extract_strided_slice %mul3A_14 {offsets = [0, 2], sizes = [1000, 1], strides = [1, 1]} : vector<1000x24xf32> to vector<1000x1xf32>
    %slice3A_124 = vector.extract_strided_slice %mul3A_14 {offsets = [0, 14], sizes = [1000, 1], strides = [1, 1]} : vector<1000x24xf32> to vector<1000x1xf32>
    %get3A_125 = arith.constant 0 : index
    %get3A_126 = arith.constant 0 : index
    %get3A_127 = vector.load %arg3[%get3A_125, %get3A_126] : memref<2x32xf32, #tpu.memory_space<vmem>>, vector<1x32xf32>
    %mul3A_128 = vector.broadcast %slice3A_123 : vector<1000x1xf32> to vector<1000x32xf32>
    %mul3A_129 = vector.broadcast %get3A_127 : vector<1x32xf32> to vector<1000x32xf32>
    %mul3A_130 = arith.mulf %mul3A_128, %mul3A_129 : vector<1000x32xf32>
    %get3A_131 = arith.constant 1 : index
    %get3A_132 = arith.constant 0 : index
    %get3A_133 = vector.load %arg3[%get3A_131, %get3A_132] : memref<2x32xf32, #tpu.memory_space<vmem>>, vector<1x32xf32>
    %mul3A_134 = vector.broadcast %slice3A_124 : vector<1000x1xf32> to vector<1000x32xf32>
    %mul3A_135 = vector.broadcast %get3A_133 : vector<1x32xf32> to vector<1000x32xf32>
    %mul3A_136 = arith.mulf %mul3A_134, %mul3A_135 : vector<1000x32xf32>
    %add3A_137 = arith.addf %mul3A_130, %mul3A_136 : vector<1000x32xf32>
    %get3A_138 = arith.constant 0 : index
    %get3A_139 = arith.constant 0 : index
    %get3A_140 = vector.load %arg4[%get3A_138, %get3A_139] : memref<1x32xf32, #tpu.memory_space<vmem>>, vector<1x32xf32>
    %add3A_141 = vector.broadcast %get3A_140 : vector<1x32xf32> to vector<1000x32xf32>
    %add3A_142 = arith.addf %add3A_137, %add3A_141 : vector<1000x32xf32>
    %logistic3A_143 = arith.negf %add3A_142 : vector<1000x32xf32>
    %logistic3A_144 = math.exp %logistic3A_143 : vector<1000x32xf32>
    %logistic3A_145 = arith.constant 1.000000e+00 : f32
    %logistic3A_146 = vector.broadcast %logistic3A_145 : f32 to vector<1000x32xf32>
    %logistic3A_147 = arith.addf %logistic3A_146, %logistic3A_144 : vector<1000x32xf32>
    %logistic3A_148 = arith.divf %logistic3A_146, %logistic3A_147 : vector<1000x32xf32>
    %get3A_149 = arith.constant 0 : index
    %get3A_150 = arith.constant 0 : index
    %get3A_151 = vector.load %arg5[%get3A_149, %get3A_150] : memref<2x32xf32, #tpu.memory_space<vmem>>, vector<1x32xf32>
    %mul3A_152 = vector.broadcast %slice3A_123 : vector<1000x1xf32> to vector<1000x32xf32>
    %mul3A_153 = vector.broadcast %get3A_151 : vector<1x32xf32> to vector<1000x32xf32>
    %mul3A_154 = arith.mulf %mul3A_152, %mul3A_153 : vector<1000x32xf32>
    %get3A_155 = arith.constant 1 : index
    %get3A_156 = arith.constant 0 : index
    %get3A_157 = vector.load %arg5[%get3A_155, %get3A_156] : memref<2x32xf32, #tpu.memory_space<vmem>>, vector<1x32xf32>
    %mul3A_158 = vector.broadcast %slice3A_124 : vector<1000x1xf32> to vector<1000x32xf32>
    %mul3A_159 = vector.broadcast %get3A_157 : vector<1x32xf32> to vector<1000x32xf32>
    %mul3A_160 = arith.mulf %mul3A_158, %mul3A_159 : vector<1000x32xf32>
    %add3A_161 = arith.addf %mul3A_154, %mul3A_160 : vector<1000x32xf32>
    %get3A_162 = arith.constant 0 : index
    %get3A_163 = arith.constant 0 : index
    %get3A_164 = vector.load %arg6[%get3A_162, %get3A_163] : memref<1x32xf32, #tpu.memory_space<vmem>>, vector<1x32xf32>
    %add3A_165 = vector.broadcast %get3A_164 : vector<1x32xf32> to vector<1000x32xf32>
    %add3A_166 = arith.addf %add3A_161, %add3A_165 : vector<1000x32xf32>
    %tanh3A_167 = math.tanh %add3A_166 : vector<1000x32xf32>
    %get3A_168 = arith.constant 0 : index
    %get3A_169 = arith.constant 2 : index
    %get3A_170 = memref.load %arg7[%get3A_168, %get3A_169] : memref<1x12xf32, #tpu.memory_space<smem>>
    %sub3A_171 = arith.constant 1.000000e+00 : f32
    %sub3A_172 = vector.broadcast %sub3A_171 : f32 to vector<1000x32xf32>
    %sub3A_173 = arith.subf %sub3A_172, %logistic3A_148 : vector<1000x32xf32>
    %mul3A_174 = vector.broadcast %get3A_170 : f32 to vector<1000x32xf32>
    %mul3A_175 = arith.mulf %mul3A_174, %sub3A_173 : vector<1000x32xf32>
    %mul3A_176 = arith.mulf %mul3A_175, %tanh3A_167 : vector<1000x32xf32>
    %add3A_177 = arith.addf %add3A_122, %mul3A_176 : vector<1000x32xf32>
    %slice3A_178 = vector.extract_strided_slice %mul3A_14 {offsets = [0, 3], sizes = [1000, 1], strides = [1, 1]} : vector<1000x24xf32> to vector<1000x1xf32>
    %slice3A_179 = vector.extract_strided_slice %mul3A_14 {offsets = [0, 15], sizes = [1000, 1], strides = [1, 1]} : vector<1000x24xf32> to vector<1000x1xf32>
    %get3A_180 = arith.constant 0 : index
    %get3A_181 = arith.constant 0 : index
    %get3A_182 = vector.load %arg3[%get3A_180, %get3A_181] : memref<2x32xf32, #tpu.memory_space<vmem>>, vector<1x32xf32>
    %mul3A_183 = vector.broadcast %slice3A_178 : vector<1000x1xf32> to vector<1000x32xf32>
    %mul3A_184 = vector.broadcast %get3A_182 : vector<1x32xf32> to vector<1000x32xf32>
    %mul3A_185 = arith.mulf %mul3A_183, %mul3A_184 : vector<1000x32xf32>
    %get3A_186 = arith.constant 1 : index
    %get3A_187 = arith.constant 0 : index
    %get3A_188 = vector.load %arg3[%get3A_186, %get3A_187] : memref<2x32xf32, #tpu.memory_space<vmem>>, vector<1x32xf32>
    %mul3A_189 = vector.broadcast %slice3A_179 : vector<1000x1xf32> to vector<1000x32xf32>
    %mul3A_190 = vector.broadcast %get3A_188 : vector<1x32xf32> to vector<1000x32xf32>
    %mul3A_191 = arith.mulf %mul3A_189, %mul3A_190 : vector<1000x32xf32>
    %add3A_192 = arith.addf %mul3A_185, %mul3A_191 : vector<1000x32xf32>
    %get3A_193 = arith.constant 0 : index
    %get3A_194 = arith.constant 0 : index
    %get3A_195 = vector.load %arg4[%get3A_193, %get3A_194] : memref<1x32xf32, #tpu.memory_space<vmem>>, vector<1x32xf32>
    %add3A_196 = vector.broadcast %get3A_195 : vector<1x32xf32> to vector<1000x32xf32>
    %add3A_197 = arith.addf %add3A_192, %add3A_196 : vector<1000x32xf32>
    %logistic3A_198 = arith.negf %add3A_197 : vector<1000x32xf32>
    %logistic3A_199 = math.exp %logistic3A_198 : vector<1000x32xf32>
    %logistic3A_200 = arith.constant 1.000000e+00 : f32
    %logistic3A_201 = vector.broadcast %logistic3A_200 : f32 to vector<1000x32xf32>
    %logistic3A_202 = arith.addf %logistic3A_201, %logistic3A_199 : vector<1000x32xf32>
    %logistic3A_203 = arith.divf %logistic3A_201, %logistic3A_202 : vector<1000x32xf32>
    %get3A_204 = arith.constant 0 : index
    %get3A_205 = arith.constant 0 : index
    %get3A_206 = vector.load %arg5[%get3A_204, %get3A_205] : memref<2x32xf32, #tpu.memory_space<vmem>>, vector<1x32xf32>
    %mul3A_207 = vector.broadcast %slice3A_178 : vector<1000x1xf32> to vector<1000x32xf32>
    %mul3A_208 = vector.broadcast %get3A_206 : vector<1x32xf32> to vector<1000x32xf32>
    %mul3A_209 = arith.mulf %mul3A_207, %mul3A_208 : vector<1000x32xf32>
    %get3A_210 = arith.constant 1 : index
    %get3A_211 = arith.constant 0 : index
    %get3A_212 = vector.load %arg5[%get3A_210, %get3A_211] : memref<2x32xf32, #tpu.memory_space<vmem>>, vector<1x32xf32>
    %mul3A_213 = vector.broadcast %slice3A_179 : vector<1000x1xf32> to vector<1000x32xf32>
    %mul3A_214 = vector.broadcast %get3A_212 : vector<1x32xf32> to vector<1000x32xf32>
    %mul3A_215 = arith.mulf %mul3A_213, %mul3A_214 : vector<1000x32xf32>
    %add3A_216 = arith.addf %mul3A_209, %mul3A_215 : vector<1000x32xf32>
    %get3A_217 = arith.constant 0 : index
    %get3A_218 = arith.constant 0 : index
    %get3A_219 = vector.load %arg6[%get3A_217, %get3A_218] : memref<1x32xf32, #tpu.memory_space<vmem>>, vector<1x32xf32>
    %add3A_220 = vector.broadcast %get3A_219 : vector<1x32xf32> to vector<1000x32xf32>
    %add3A_221 = arith.addf %add3A_216, %add3A_220 : vector<1000x32xf32>
    %tanh3A_222 = math.tanh %add3A_221 : vector<1000x32xf32>
    %get3A_223 = arith.constant 0 : index
    %get3A_224 = arith.constant 3 : index
    %get3A_225 = memref.load %arg7[%get3A_223, %get3A_224] : memref<1x12xf32, #tpu.memory_space<smem>>
    %sub3A_226 = arith.constant 1.000000e+00 : f32
    %sub3A_227 = vector.broadcast %sub3A_226 : f32 to vector<1000x32xf32>
    %sub3A_228 = arith.subf %sub3A_227, %logistic3A_203 : vector<1000x32xf32>
    %mul3A_229 = vector.broadcast %get3A_225 : f32 to vector<1000x32xf32>
    %mul3A_230 = arith.mulf %mul3A_229, %sub3A_228 : vector<1000x32xf32>
    %mul3A_231 = arith.mulf %mul3A_230, %tanh3A_222 : vector<1000x32xf32>
    %add3A_232 = arith.addf %add3A_177, %mul3A_231 : vector<1000x32xf32>
    %slice3A_233 = vector.extract_strided_slice %mul3A_14 {offsets = [0, 4], sizes = [1000, 1], strides = [1, 1]} : vector<1000x24xf32> to vector<1000x1xf32>
    %slice3A_234 = vector.extract_strided_slice %mul3A_14 {offsets = [0, 16], sizes = [1000, 1], strides = [1, 1]} : vector<1000x24xf32> to vector<1000x1xf32>
    %get3A_235 = arith.constant 0 : index
    %get3A_236 = arith.constant 0 : index
    %get3A_237 = vector.load %arg3[%get3A_235, %get3A_236] : memref<2x32xf32, #tpu.memory_space<vmem>>, vector<1x32xf32>
    %mul3A_238 = vector.broadcast %slice3A_233 : vector<1000x1xf32> to vector<1000x32xf32>
    %mul3A_239 = vector.broadcast %get3A_237 : vector<1x32xf32> to vector<1000x32xf32>
    %mul3A_240 = arith.mulf %mul3A_238, %mul3A_239 : vector<1000x32xf32>
    %get3A_241 = arith.constant 1 : index
    %get3A_242 = arith.constant 0 : index
    %get3A_243 = vector.load %arg3[%get3A_241, %get3A_242] : memref<2x32xf32, #tpu.memory_space<vmem>>, vector<1x32xf32>
    %mul3A_244 = vector.broadcast %slice3A_234 : vector<1000x1xf32> to vector<1000x32xf32>
    %mul3A_245 = vector.broadcast %get3A_243 : vector<1x32xf32> to vector<1000x32xf32>
    %mul3A_246 = arith.mulf %mul3A_244, %mul3A_245 : vector<1000x32xf32>
    %add3A_247 = arith.addf %mul3A_240, %mul3A_246 : vector<1000x32xf32>
    %get3A_248 = arith.constant 0 : index
    %get3A_249 = arith.constant 0 : index
    %get3A_250 = vector.load %arg4[%get3A_248, %get3A_249] : memref<1x32xf32, #tpu.memory_space<vmem>>, vector<1x32xf32>
    %add3A_251 = vector.broadcast %get3A_250 : vector<1x32xf32> to vector<1000x32xf32>
    %add3A_252 = arith.addf %add3A_247, %add3A_251 : vector<1000x32xf32>
    %logistic3A_253 = arith.negf %add3A_252 : vector<1000x32xf32>
    %logistic3A_254 = math.exp %logistic3A_253 : vector<1000x32xf32>
    %logistic3A_255 = arith.constant 1.000000e+00 : f32
    %logistic3A_256 = vector.broadcast %logistic3A_255 : f32 to vector<1000x32xf32>
    %logistic3A_257 = arith.addf %logistic3A_256, %logistic3A_254 : vector<1000x32xf32>
    %logistic3A_258 = arith.divf %logistic3A_256, %logistic3A_257 : vector<1000x32xf32>
    %get3A_259 = arith.constant 0 : index
    %get3A_260 = arith.constant 0 : index
    %get3A_261 = vector.load %arg5[%get3A_259, %get3A_260] : memref<2x32xf32, #tpu.memory_space<vmem>>, vector<1x32xf32>
    %mul3A_262 = vector.broadcast %slice3A_233 : vector<1000x1xf32> to vector<1000x32xf32>
    %mul3A_263 = vector.broadcast %get3A_261 : vector<1x32xf32> to vector<1000x32xf32>
    %mul3A_264 = arith.mulf %mul3A_262, %mul3A_263 : vector<1000x32xf32>
    %get3A_265 = arith.constant 1 : index
    %get3A_266 = arith.constant 0 : index
    %get3A_267 = vector.load %arg5[%get3A_265, %get3A_266] : memref<2x32xf32, #tpu.memory_space<vmem>>, vector<1x32xf32>
    %mul3A_268 = vector.broadcast %slice3A_234 : vector<1000x1xf32> to vector<1000x32xf32>
    %mul3A_269 = vector.broadcast %get3A_267 : vector<1x32xf32> to vector<1000x32xf32>
    %mul3A_270 = arith.mulf %mul3A_268, %mul3A_269 : vector<1000x32xf32>
    %add3A_271 = arith.addf %mul3A_264, %mul3A_270 : vector<1000x32xf32>
    %get3A_272 = arith.constant 0 : index
    %get3A_273 = arith.constant 0 : index
    %get3A_274 = vector.load %arg6[%get3A_272, %get3A_273] : memref<1x32xf32, #tpu.memory_space<vmem>>, vector<1x32xf32>
    %add3A_275 = vector.broadcast %get3A_274 : vector<1x32xf32> to vector<1000x32xf32>
    %add3A_276 = arith.addf %add3A_271, %add3A_275 : vector<1000x32xf32>
    %tanh3A_277 = math.tanh %add3A_276 : vector<1000x32xf32>
    %get3A_278 = arith.constant 0 : index
    %get3A_279 = arith.constant 4 : index
    %get3A_280 = memref.load %arg7[%get3A_278, %get3A_279] : memref<1x12xf32, #tpu.memory_space<smem>>
    %sub3A_281 = arith.constant 1.000000e+00 : f32
    %sub3A_282 = vector.broadcast %sub3A_281 : f32 to vector<1000x32xf32>
    %sub3A_283 = arith.subf %sub3A_282, %logistic3A_258 : vector<1000x32xf32>
    %mul3A_284 = vector.broadcast %get3A_280 : f32 to vector<1000x32xf32>
    %mul3A_285 = arith.mulf %mul3A_284, %sub3A_283 : vector<1000x32xf32>
    %mul3A_286 = arith.mulf %mul3A_285, %tanh3A_277 : vector<1000x32xf32>
    %add3A_287 = arith.addf %add3A_232, %mul3A_286 : vector<1000x32xf32>
    %slice3A_288 = vector.extract_strided_slice %mul3A_14 {offsets = [0, 5], sizes = [1000, 1], strides = [1, 1]} : vector<1000x24xf32> to vector<1000x1xf32>
    %slice3A_289 = vector.extract_strided_slice %mul3A_14 {offsets = [0, 17], sizes = [1000, 1], strides = [1, 1]} : vector<1000x24xf32> to vector<1000x1xf32>
    %get3A_290 = arith.constant 0 : index
    %get3A_291 = arith.constant 0 : index
    %get3A_292 = vector.load %arg3[%get3A_290, %get3A_291] : memref<2x32xf32, #tpu.memory_space<vmem>>, vector<1x32xf32>
    %mul3A_293 = vector.broadcast %slice3A_288 : vector<1000x1xf32> to vector<1000x32xf32>
    %mul3A_294 = vector.broadcast %get3A_292 : vector<1x32xf32> to vector<1000x32xf32>
    %mul3A_295 = arith.mulf %mul3A_293, %mul3A_294 : vector<1000x32xf32>
    %get3A_296 = arith.constant 1 : index
    %get3A_297 = arith.constant 0 : index
    %get3A_298 = vector.load %arg3[%get3A_296, %get3A_297] : memref<2x32xf32, #tpu.memory_space<vmem>>, vector<1x32xf32>
    %mul3A_299 = vector.broadcast %slice3A_289 : vector<1000x1xf32> to vector<1000x32xf32>
    %mul3A_300 = vector.broadcast %get3A_298 : vector<1x32xf32> to vector<1000x32xf32>
    %mul3A_301 = arith.mulf %mul3A_299, %mul3A_300 : vector<1000x32xf32>
    %add3A_302 = arith.addf %mul3A_295, %mul3A_301 : vector<1000x32xf32>
    %get3A_303 = arith.constant 0 : index
    %get3A_304 = arith.constant 0 : index
    %get3A_305 = vector.load %arg4[%get3A_303, %get3A_304] : memref<1x32xf32, #tpu.memory_space<vmem>>, vector<1x32xf32>
    %add3A_306 = vector.broadcast %get3A_305 : vector<1x32xf32> to vector<1000x32xf32>
    %add3A_307 = arith.addf %add3A_302, %add3A_306 : vector<1000x32xf32>
    %logistic3A_308 = arith.negf %add3A_307 : vector<1000x32xf32>
    %logistic3A_309 = math.exp %logistic3A_308 : vector<1000x32xf32>
    %logistic3A_310 = arith.constant 1.000000e+00 : f32
    %logistic3A_311 = vector.broadcast %logistic3A_310 : f32 to vector<1000x32xf32>
    %logistic3A_312 = arith.addf %logistic3A_311, %logistic3A_309 : vector<1000x32xf32>
    %logistic3A_313 = arith.divf %logistic3A_311, %logistic3A_312 : vector<1000x32xf32>
    %get3A_314 = arith.constant 0 : index
    %get3A_315 = arith.constant 0 : index
    %get3A_316 = vector.load %arg5[%get3A_314, %get3A_315] : memref<2x32xf32, #tpu.memory_space<vmem>>, vector<1x32xf32>
    %mul3A_317 = vector.broadcast %slice3A_288 : vector<1000x1xf32> to vector<1000x32xf32>
    %mul3A_318 = vector.broadcast %get3A_316 : vector<1x32xf32> to vector<1000x32xf32>
    %mul3A_319 = arith.mulf %mul3A_317, %mul3A_318 : vector<1000x32xf32>
    %get3A_320 = arith.constant 1 : index
    %get3A_321 = arith.constant 0 : index
    %get3A_322 = vector.load %arg5[%get3A_320, %get3A_321] : memref<2x32xf32, #tpu.memory_space<vmem>>, vector<1x32xf32>
    %mul3A_323 = vector.broadcast %slice3A_289 : vector<1000x1xf32> to vector<1000x32xf32>
    %mul3A_324 = vector.broadcast %get3A_322 : vector<1x32xf32> to vector<1000x32xf32>
    %mul3A_325 = arith.mulf %mul3A_323, %mul3A_324 : vector<1000x32xf32>
    %add3A_326 = arith.addf %mul3A_319, %mul3A_325 : vector<1000x32xf32>
    %get3A_327 = arith.constant 0 : index
    %get3A_328 = arith.constant 0 : index
    %get3A_329 = vector.load %arg6[%get3A_327, %get3A_328] : memref<1x32xf32, #tpu.memory_space<vmem>>, vector<1x32xf32>
    %add3A_330 = vector.broadcast %get3A_329 : vector<1x32xf32> to vector<1000x32xf32>
    %add3A_331 = arith.addf %add3A_326, %add3A_330 : vector<1000x32xf32>
    %tanh3A_332 = math.tanh %add3A_331 : vector<1000x32xf32>
    %get3A_333 = arith.constant 0 : index
    %get3A_334 = arith.constant 5 : index
    %get3A_335 = memref.load %arg7[%get3A_333, %get3A_334] : memref<1x12xf32, #tpu.memory_space<smem>>
    %sub3A_336 = arith.constant 1.000000e+00 : f32
    %sub3A_337 = vector.broadcast %sub3A_336 : f32 to vector<1000x32xf32>
    %sub3A_338 = arith.subf %sub3A_337, %logistic3A_313 : vector<1000x32xf32>
    %mul3A_339 = vector.broadcast %get3A_335 : f32 to vector<1000x32xf32>
    %mul3A_340 = arith.mulf %mul3A_339, %sub3A_338 : vector<1000x32xf32>
    %mul3A_341 = arith.mulf %mul3A_340, %tanh3A_332 : vector<1000x32xf32>
    %add3A_342 = arith.addf %add3A_287, %mul3A_341 : vector<1000x32xf32>
    %slice3A_343 = vector.extract_strided_slice %mul3A_14 {offsets = [0, 6], sizes = [1000, 1], strides = [1, 1]} : vector<1000x24xf32> to vector<1000x1xf32>
    %slice3A_344 = vector.extract_strided_slice %mul3A_14 {offsets = [0, 18], sizes = [1000, 1], strides = [1, 1]} : vector<1000x24xf32> to vector<1000x1xf32>
    %get3A_345 = arith.constant 0 : index
    %get3A_346 = arith.constant 0 : index
    %get3A_347 = vector.load %arg3[%get3A_345, %get3A_346] : memref<2x32xf32, #tpu.memory_space<vmem>>, vector<1x32xf32>
    %mul3A_348 = vector.broadcast %slice3A_343 : vector<1000x1xf32> to vector<1000x32xf32>
    %mul3A_349 = vector.broadcast %get3A_347 : vector<1x32xf32> to vector<1000x32xf32>
    %mul3A_350 = arith.mulf %mul3A_348, %mul3A_349 : vector<1000x32xf32>
    %get3A_351 = arith.constant 1 : index
    %get3A_352 = arith.constant 0 : index
    %get3A_353 = vector.load %arg3[%get3A_351, %get3A_352] : memref<2x32xf32, #tpu.memory_space<vmem>>, vector<1x32xf32>
    %mul3A_354 = vector.broadcast %slice3A_344 : vector<1000x1xf32> to vector<1000x32xf32>
    %mul3A_355 = vector.broadcast %get3A_353 : vector<1x32xf32> to vector<1000x32xf32>
    %mul3A_356 = arith.mulf %mul3A_354, %mul3A_355 : vector<1000x32xf32>
    %add3A_357 = arith.addf %mul3A_350, %mul3A_356 : vector<1000x32xf32>
    %get3A_358 = arith.constant 0 : index
    %get3A_359 = arith.constant 0 : index
    %get3A_360 = vector.load %arg4[%get3A_358, %get3A_359] : memref<1x32xf32, #tpu.memory_space<vmem>>, vector<1x32xf32>
    %add3A_361 = vector.broadcast %get3A_360 : vector<1x32xf32> to vector<1000x32xf32>
    %add3A_362 = arith.addf %add3A_357, %add3A_361 : vector<1000x32xf32>
    %logistic3A_363 = arith.negf %add3A_362 : vector<1000x32xf32>
    %logistic3A_364 = math.exp %logistic3A_363 : vector<1000x32xf32>
    %logistic3A_365 = arith.constant 1.000000e+00 : f32
    %logistic3A_366 = vector.broadcast %logistic3A_365 : f32 to vector<1000x32xf32>
    %logistic3A_367 = arith.addf %logistic3A_366, %logistic3A_364 : vector<1000x32xf32>
    %logistic3A_368 = arith.divf %logistic3A_366, %logistic3A_367 : vector<1000x32xf32>
    %get3A_369 = arith.constant 0 : index
    %get3A_370 = arith.constant 0 : index
    %get3A_371 = vector.load %arg5[%get3A_369, %get3A_370] : memref<2x32xf32, #tpu.memory_space<vmem>>, vector<1x32xf32>
    %mul3A_372 = vector.broadcast %slice3A_343 : vector<1000x1xf32> to vector<1000x32xf32>
    %mul3A_373 = vector.broadcast %get3A_371 : vector<1x32xf32> to vector<1000x32xf32>
    %mul3A_374 = arith.mulf %mul3A_372, %mul3A_373 : vector<1000x32xf32>
    %get3A_375 = arith.constant 1 : index
    %get3A_376 = arith.constant 0 : index
    %get3A_377 = vector.load %arg5[%get3A_375, %get3A_376] : memref<2x32xf32, #tpu.memory_space<vmem>>, vector<1x32xf32>
    %mul3A_378 = vector.broadcast %slice3A_344 : vector<1000x1xf32> to vector<1000x32xf32>
    %mul3A_379 = vector.broadcast %get3A_377 : vector<1x32xf32> to vector<1000x32xf32>
    %mul3A_380 = arith.mulf %mul3A_378, %mul3A_379 : vector<1000x32xf32>
    %add3A_381 = arith.addf %mul3A_374, %mul3A_380 : vector<1000x32xf32>
    %get3A_382 = arith.constant 0 : index
    %get3A_383 = arith.constant 0 : index
    %get3A_384 = vector.load %arg6[%get3A_382, %get3A_383] : memref<1x32xf32, #tpu.memory_space<vmem>>, vector<1x32xf32>
    %add3A_385 = vector.broadcast %get3A_384 : vector<1x32xf32> to vector<1000x32xf32>
    %add3A_386 = arith.addf %add3A_381, %add3A_385 : vector<1000x32xf32>
    %tanh3A_387 = math.tanh %add3A_386 : vector<1000x32xf32>
    %get3A_388 = arith.constant 0 : index
    %get3A_389 = arith.constant 6 : index
    %get3A_390 = memref.load %arg7[%get3A_388, %get3A_389] : memref<1x12xf32, #tpu.memory_space<smem>>
    %sub3A_391 = arith.constant 1.000000e+00 : f32
    %sub3A_392 = vector.broadcast %sub3A_391 : f32 to vector<1000x32xf32>
    %sub3A_393 = arith.subf %sub3A_392, %logistic3A_368 : vector<1000x32xf32>
    %mul3A_394 = vector.broadcast %get3A_390 : f32 to vector<1000x32xf32>
    %mul3A_395 = arith.mulf %mul3A_394, %sub3A_393 : vector<1000x32xf32>
    %mul3A_396 = arith.mulf %mul3A_395, %tanh3A_387 : vector<1000x32xf32>
    %add3A_397 = arith.addf %add3A_342, %mul3A_396 : vector<1000x32xf32>
    %slice3A_398 = vector.extract_strided_slice %mul3A_14 {offsets = [0, 7], sizes = [1000, 1], strides = [1, 1]} : vector<1000x24xf32> to vector<1000x1xf32>
    %slice3A_399 = vector.extract_strided_slice %mul3A_14 {offsets = [0, 19], sizes = [1000, 1], strides = [1, 1]} : vector<1000x24xf32> to vector<1000x1xf32>
    %get3A_400 = arith.constant 0 : index
    %get3A_401 = arith.constant 0 : index
    %get3A_402 = vector.load %arg3[%get3A_400, %get3A_401] : memref<2x32xf32, #tpu.memory_space<vmem>>, vector<1x32xf32>
    %mul3A_403 = vector.broadcast %slice3A_398 : vector<1000x1xf32> to vector<1000x32xf32>
    %mul3A_404 = vector.broadcast %get3A_402 : vector<1x32xf32> to vector<1000x32xf32>
    %mul3A_405 = arith.mulf %mul3A_403, %mul3A_404 : vector<1000x32xf32>
    %get3A_406 = arith.constant 1 : index
    %get3A_407 = arith.constant 0 : index
    %get3A_408 = vector.load %arg3[%get3A_406, %get3A_407] : memref<2x32xf32, #tpu.memory_space<vmem>>, vector<1x32xf32>
    %mul3A_409 = vector.broadcast %slice3A_399 : vector<1000x1xf32> to vector<1000x32xf32>
    %mul3A_410 = vector.broadcast %get3A_408 : vector<1x32xf32> to vector<1000x32xf32>
    %mul3A_411 = arith.mulf %mul3A_409, %mul3A_410 : vector<1000x32xf32>
    %add3A_412 = arith.addf %mul3A_405, %mul3A_411 : vector<1000x32xf32>
    %get3A_413 = arith.constant 0 : index
    %get3A_414 = arith.constant 0 : index
    %get3A_415 = vector.load %arg4[%get3A_413, %get3A_414] : memref<1x32xf32, #tpu.memory_space<vmem>>, vector<1x32xf32>
    %add3A_416 = vector.broadcast %get3A_415 : vector<1x32xf32> to vector<1000x32xf32>
    %add3A_417 = arith.addf %add3A_412, %add3A_416 : vector<1000x32xf32>
    %logistic3A_418 = arith.negf %add3A_417 : vector<1000x32xf32>
    %logistic3A_419 = math.exp %logistic3A_418 : vector<1000x32xf32>
    %logistic3A_420 = arith.constant 1.000000e+00 : f32
    %logistic3A_421 = vector.broadcast %logistic3A_420 : f32 to vector<1000x32xf32>
    %logistic3A_422 = arith.addf %logistic3A_421, %logistic3A_419 : vector<1000x32xf32>
    %logistic3A_423 = arith.divf %logistic3A_421, %logistic3A_422 : vector<1000x32xf32>
    %get3A_424 = arith.constant 0 : index
    %get3A_425 = arith.constant 0 : index
    %get3A_426 = vector.load %arg5[%get3A_424, %get3A_425] : memref<2x32xf32, #tpu.memory_space<vmem>>, vector<1x32xf32>
    %mul3A_427 = vector.broadcast %slice3A_398 : vector<1000x1xf32> to vector<1000x32xf32>
    %mul3A_428 = vector.broadcast %get3A_426 : vector<1x32xf32> to vector<1000x32xf32>
    %mul3A_429 = arith.mulf %mul3A_427, %mul3A_428 : vector<1000x32xf32>
    %get3A_430 = arith.constant 1 : index
    %get3A_431 = arith.constant 0 : index
    %get3A_432 = vector.load %arg5[%get3A_430, %get3A_431] : memref<2x32xf32, #tpu.memory_space<vmem>>, vector<1x32xf32>
    %mul3A_433 = vector.broadcast %slice3A_399 : vector<1000x1xf32> to vector<1000x32xf32>
    %mul3A_434 = vector.broadcast %get3A_432 : vector<1x32xf32> to vector<1000x32xf32>
    %mul3A_435 = arith.mulf %mul3A_433, %mul3A_434 : vector<1000x32xf32>
    %add3A_436 = arith.addf %mul3A_429, %mul3A_435 : vector<1000x32xf32>
    %get3A_437 = arith.constant 0 : index
    %get3A_438 = arith.constant 0 : index
    %get3A_439 = vector.load %arg6[%get3A_437, %get3A_438] : memref<1x32xf32, #tpu.memory_space<vmem>>, vector<1x32xf32>
    %add3A_440 = vector.broadcast %get3A_439 : vector<1x32xf32> to vector<1000x32xf32>
    %add3A_441 = arith.addf %add3A_436, %add3A_440 : vector<1000x32xf32>
    %tanh3A_442 = math.tanh %add3A_441 : vector<1000x32xf32>
    %get3A_443 = arith.constant 0 : index
    %get3A_444 = arith.constant 7 : index
    %get3A_445 = memref.load %arg7[%get3A_443, %get3A_444] : memref<1x12xf32, #tpu.memory_space<smem>>
    %sub3A_446 = arith.constant 1.000000e+00 : f32
    %sub3A_447 = vector.broadcast %sub3A_446 : f32 to vector<1000x32xf32>
    %sub3A_448 = arith.subf %sub3A_447, %logistic3A_423 : vector<1000x32xf32>
    %mul3A_449 = vector.broadcast %get3A_445 : f32 to vector<1000x32xf32>
    %mul3A_450 = arith.mulf %mul3A_449, %sub3A_448 : vector<1000x32xf32>
    %mul3A_451 = arith.mulf %mul3A_450, %tanh3A_442 : vector<1000x32xf32>
    %add3A_452 = arith.addf %add3A_397, %mul3A_451 : vector<1000x32xf32>
    %slice3A_453 = vector.extract_strided_slice %mul3A_14 {offsets = [0, 8], sizes = [1000, 1], strides = [1, 1]} : vector<1000x24xf32> to vector<1000x1xf32>
    %slice3A_454 = vector.extract_strided_slice %mul3A_14 {offsets = [0, 20], sizes = [1000, 1], strides = [1, 1]} : vector<1000x24xf32> to vector<1000x1xf32>
    %get3A_455 = arith.constant 0 : index
    %get3A_456 = arith.constant 0 : index
    %get3A_457 = vector.load %arg3[%get3A_455, %get3A_456] : memref<2x32xf32, #tpu.memory_space<vmem>>, vector<1x32xf32>
    %mul3A_458 = vector.broadcast %slice3A_453 : vector<1000x1xf32> to vector<1000x32xf32>
    %mul3A_459 = vector.broadcast %get3A_457 : vector<1x32xf32> to vector<1000x32xf32>
    %mul3A_460 = arith.mulf %mul3A_458, %mul3A_459 : vector<1000x32xf32>
    %get3A_461 = arith.constant 1 : index
    %get3A_462 = arith.constant 0 : index
    %get3A_463 = vector.load %arg3[%get3A_461, %get3A_462] : memref<2x32xf32, #tpu.memory_space<vmem>>, vector<1x32xf32>
    %mul3A_464 = vector.broadcast %slice3A_454 : vector<1000x1xf32> to vector<1000x32xf32>
    %mul3A_465 = vector.broadcast %get3A_463 : vector<1x32xf32> to vector<1000x32xf32>
    %mul3A_466 = arith.mulf %mul3A_464, %mul3A_465 : vector<1000x32xf32>
    %add3A_467 = arith.addf %mul3A_460, %mul3A_466 : vector<1000x32xf32>
    %get3A_468 = arith.constant 0 : index
    %get3A_469 = arith.constant 0 : index
    %get3A_470 = vector.load %arg4[%get3A_468, %get3A_469] : memref<1x32xf32, #tpu.memory_space<vmem>>, vector<1x32xf32>
    %add3A_471 = vector.broadcast %get3A_470 : vector<1x32xf32> to vector<1000x32xf32>
    %add3A_472 = arith.addf %add3A_467, %add3A_471 : vector<1000x32xf32>
    %logistic3A_473 = arith.negf %add3A_472 : vector<1000x32xf32>
    %logistic3A_474 = math.exp %logistic3A_473 : vector<1000x32xf32>
    %logistic3A_475 = arith.constant 1.000000e+00 : f32
    %logistic3A_476 = vector.broadcast %logistic3A_475 : f32 to vector<1000x32xf32>
    %logistic3A_477 = arith.addf %logistic3A_476, %logistic3A_474 : vector<1000x32xf32>
    %logistic3A_478 = arith.divf %logistic3A_476, %logistic3A_477 : vector<1000x32xf32>
    %get3A_479 = arith.constant 0 : index
    %get3A_480 = arith.constant 0 : index
    %get3A_481 = vector.load %arg5[%get3A_479, %get3A_480] : memref<2x32xf32, #tpu.memory_space<vmem>>, vector<1x32xf32>
    %mul3A_482 = vector.broadcast %slice3A_453 : vector<1000x1xf32> to vector<1000x32xf32>
    %mul3A_483 = vector.broadcast %get3A_481 : vector<1x32xf32> to vector<1000x32xf32>
    %mul3A_484 = arith.mulf %mul3A_482, %mul3A_483 : vector<1000x32xf32>
    %get3A_485 = arith.constant 1 : index
    %get3A_486 = arith.constant 0 : index
    %get3A_487 = vector.load %arg5[%get3A_485, %get3A_486] : memref<2x32xf32, #tpu.memory_space<vmem>>, vector<1x32xf32>
    %mul3A_488 = vector.broadcast %slice3A_454 : vector<1000x1xf32> to vector<1000x32xf32>
    %mul3A_489 = vector.broadcast %get3A_487 : vector<1x32xf32> to vector<1000x32xf32>
    %mul3A_490 = arith.mulf %mul3A_488, %mul3A_489 : vector<1000x32xf32>
    %add3A_491 = arith.addf %mul3A_484, %mul3A_490 : vector<1000x32xf32>
    %get3A_492 = arith.constant 0 : index
    %get3A_493 = arith.constant 0 : index
    %get3A_494 = vector.load %arg6[%get3A_492, %get3A_493] : memref<1x32xf32, #tpu.memory_space<vmem>>, vector<1x32xf32>
    %add3A_495 = vector.broadcast %get3A_494 : vector<1x32xf32> to vector<1000x32xf32>
    %add3A_496 = arith.addf %add3A_491, %add3A_495 : vector<1000x32xf32>
    %tanh3A_497 = math.tanh %add3A_496 : vector<1000x32xf32>
    %get3A_498 = arith.constant 0 : index
    %get3A_499 = arith.constant 8 : index
    %get3A_500 = memref.load %arg7[%get3A_498, %get3A_499] : memref<1x12xf32, #tpu.memory_space<smem>>
    %sub3A_501 = arith.constant 1.000000e+00 : f32
    %sub3A_502 = vector.broadcast %sub3A_501 : f32 to vector<1000x32xf32>
    %sub3A_503 = arith.subf %sub3A_502, %logistic3A_478 : vector<1000x32xf32>
    %mul3A_504 = vector.broadcast %get3A_500 : f32 to vector<1000x32xf32>
    %mul3A_505 = arith.mulf %mul3A_504, %sub3A_503 : vector<1000x32xf32>
    %mul3A_506 = arith.mulf %mul3A_505, %tanh3A_497 : vector<1000x32xf32>
    %add3A_507 = arith.addf %add3A_452, %mul3A_506 : vector<1000x32xf32>
    %slice3A_508 = vector.extract_strided_slice %mul3A_14 {offsets = [0, 9], sizes = [1000, 1], strides = [1, 1]} : vector<1000x24xf32> to vector<1000x1xf32>
    %slice3A_509 = vector.extract_strided_slice %mul3A_14 {offsets = [0, 21], sizes = [1000, 1], strides = [1, 1]} : vector<1000x24xf32> to vector<1000x1xf32>
    %get3A_510 = arith.constant 0 : index
    %get3A_511 = arith.constant 0 : index
    %get3A_512 = vector.load %arg3[%get3A_510, %get3A_511] : memref<2x32xf32, #tpu.memory_space<vmem>>, vector<1x32xf32>
    %mul3A_513 = vector.broadcast %slice3A_508 : vector<1000x1xf32> to vector<1000x32xf32>
    %mul3A_514 = vector.broadcast %get3A_512 : vector<1x32xf32> to vector<1000x32xf32>
    %mul3A_515 = arith.mulf %mul3A_513, %mul3A_514 : vector<1000x32xf32>
    %get3A_516 = arith.constant 1 : index
    %get3A_517 = arith.constant 0 : index
    %get3A_518 = vector.load %arg3[%get3A_516, %get3A_517] : memref<2x32xf32, #tpu.memory_space<vmem>>, vector<1x32xf32>
    %mul3A_519 = vector.broadcast %slice3A_509 : vector<1000x1xf32> to vector<1000x32xf32>
    %mul3A_520 = vector.broadcast %get3A_518 : vector<1x32xf32> to vector<1000x32xf32>
    %mul3A_521 = arith.mulf %mul3A_519, %mul3A_520 : vector<1000x32xf32>
    %add3A_522 = arith.addf %mul3A_515, %mul3A_521 : vector<1000x32xf32>
    %get3A_523 = arith.constant 0 : index
    %get3A_524 = arith.constant 0 : index
    %get3A_525 = vector.load %arg4[%get3A_523, %get3A_524] : memref<1x32xf32, #tpu.memory_space<vmem>>, vector<1x32xf32>
    %add3A_526 = vector.broadcast %get3A_525 : vector<1x32xf32> to vector<1000x32xf32>
    %add3A_527 = arith.addf %add3A_522, %add3A_526 : vector<1000x32xf32>
    %logistic3A_528 = arith.negf %add3A_527 : vector<1000x32xf32>
    %logistic3A_529 = math.exp %logistic3A_528 : vector<1000x32xf32>
    %logistic3A_530 = arith.constant 1.000000e+00 : f32
    %logistic3A_531 = vector.broadcast %logistic3A_530 : f32 to vector<1000x32xf32>
    %logistic3A_532 = arith.addf %logistic3A_531, %logistic3A_529 : vector<1000x32xf32>
    %logistic3A_533 = arith.divf %logistic3A_531, %logistic3A_532 : vector<1000x32xf32>
    %get3A_534 = arith.constant 0 : index
    %get3A_535 = arith.constant 0 : index
    %get3A_536 = vector.load %arg5[%get3A_534, %get3A_535] : memref<2x32xf32, #tpu.memory_space<vmem>>, vector<1x32xf32>
    %mul3A_537 = vector.broadcast %slice3A_508 : vector<1000x1xf32> to vector<1000x32xf32>
    %mul3A_538 = vector.broadcast %get3A_536 : vector<1x32xf32> to vector<1000x32xf32>
    %mul3A_539 = arith.mulf %mul3A_537, %mul3A_538 : vector<1000x32xf32>
    %get3A_540 = arith.constant 1 : index
    %get3A_541 = arith.constant 0 : index
    %get3A_542 = vector.load %arg5[%get3A_540, %get3A_541] : memref<2x32xf32, #tpu.memory_space<vmem>>, vector<1x32xf32>
    %mul3A_543 = vector.broadcast %slice3A_509 : vector<1000x1xf32> to vector<1000x32xf32>
    %mul3A_544 = vector.broadcast %get3A_542 : vector<1x32xf32> to vector<1000x32xf32>
    %mul3A_545 = arith.mulf %mul3A_543, %mul3A_544 : vector<1000x32xf32>
    %add3A_546 = arith.addf %mul3A_539, %mul3A_545 : vector<1000x32xf32>
    %get3A_547 = arith.constant 0 : index
    %get3A_548 = arith.constant 0 : index
    %get3A_549 = vector.load %arg6[%get3A_547, %get3A_548] : memref<1x32xf32, #tpu.memory_space<vmem>>, vector<1x32xf32>
    %add3A_550 = vector.broadcast %get3A_549 : vector<1x32xf32> to vector<1000x32xf32>
    %add3A_551 = arith.addf %add3A_546, %add3A_550 : vector<1000x32xf32>
    %tanh3A_552 = math.tanh %add3A_551 : vector<1000x32xf32>
    %get3A_553 = arith.constant 0 : index
    %get3A_554 = arith.constant 9 : index
    %get3A_555 = memref.load %arg7[%get3A_553, %get3A_554] : memref<1x12xf32, #tpu.memory_space<smem>>
    %sub3A_556 = arith.constant 1.000000e+00 : f32
    %sub3A_557 = vector.broadcast %sub3A_556 : f32 to vector<1000x32xf32>
    %sub3A_558 = arith.subf %sub3A_557, %logistic3A_533 : vector<1000x32xf32>
    %mul3A_559 = vector.broadcast %get3A_555 : f32 to vector<1000x32xf32>
    %mul3A_560 = arith.mulf %mul3A_559, %sub3A_558 : vector<1000x32xf32>
    %mul3A_561 = arith.mulf %mul3A_560, %tanh3A_552 : vector<1000x32xf32>
    %add3A_562 = arith.addf %add3A_507, %mul3A_561 : vector<1000x32xf32>
    %slice3A_563 = vector.extract_strided_slice %mul3A_14 {offsets = [0, 10], sizes = [1000, 1], strides = [1, 1]} : vector<1000x24xf32> to vector<1000x1xf32>
    %slice3A_564 = vector.extract_strided_slice %mul3A_14 {offsets = [0, 22], sizes = [1000, 1], strides = [1, 1]} : vector<1000x24xf32> to vector<1000x1xf32>
    %get3A_565 = arith.constant 0 : index
    %get3A_566 = arith.constant 0 : index
    %get3A_567 = vector.load %arg3[%get3A_565, %get3A_566] : memref<2x32xf32, #tpu.memory_space<vmem>>, vector<1x32xf32>
    %mul3A_568 = vector.broadcast %slice3A_563 : vector<1000x1xf32> to vector<1000x32xf32>
    %mul3A_569 = vector.broadcast %get3A_567 : vector<1x32xf32> to vector<1000x32xf32>
    %mul3A_570 = arith.mulf %mul3A_568, %mul3A_569 : vector<1000x32xf32>
    %get3A_571 = arith.constant 1 : index
    %get3A_572 = arith.constant 0 : index
    %get3A_573 = vector.load %arg3[%get3A_571, %get3A_572] : memref<2x32xf32, #tpu.memory_space<vmem>>, vector<1x32xf32>
    %mul3A_574 = vector.broadcast %slice3A_564 : vector<1000x1xf32> to vector<1000x32xf32>
    %mul3A_575 = vector.broadcast %get3A_573 : vector<1x32xf32> to vector<1000x32xf32>
    %mul3A_576 = arith.mulf %mul3A_574, %mul3A_575 : vector<1000x32xf32>
    %add3A_577 = arith.addf %mul3A_570, %mul3A_576 : vector<1000x32xf32>
    %get3A_578 = arith.constant 0 : index
    %get3A_579 = arith.constant 0 : index
    %get3A_580 = vector.load %arg4[%get3A_578, %get3A_579] : memref<1x32xf32, #tpu.memory_space<vmem>>, vector<1x32xf32>
    %add3A_581 = vector.broadcast %get3A_580 : vector<1x32xf32> to vector<1000x32xf32>
    %add3A_582 = arith.addf %add3A_577, %add3A_581 : vector<1000x32xf32>
    %logistic3A_583 = arith.negf %add3A_582 : vector<1000x32xf32>
    %logistic3A_584 = math.exp %logistic3A_583 : vector<1000x32xf32>
    %logistic3A_585 = arith.constant 1.000000e+00 : f32
    %logistic3A_586 = vector.broadcast %logistic3A_585 : f32 to vector<1000x32xf32>
    %logistic3A_587 = arith.addf %logistic3A_586, %logistic3A_584 : vector<1000x32xf32>
    %logistic3A_588 = arith.divf %logistic3A_586, %logistic3A_587 : vector<1000x32xf32>
    %get3A_589 = arith.constant 0 : index
    %get3A_590 = arith.constant 0 : index
    %get3A_591 = vector.load %arg5[%get3A_589, %get3A_590] : memref<2x32xf32, #tpu.memory_space<vmem>>, vector<1x32xf32>
    %mul3A_592 = vector.broadcast %slice3A_563 : vector<1000x1xf32> to vector<1000x32xf32>
    %mul3A_593 = vector.broadcast %get3A_591 : vector<1x32xf32> to vector<1000x32xf32>
    %mul3A_594 = arith.mulf %mul3A_592, %mul3A_593 : vector<1000x32xf32>
    %get3A_595 = arith.constant 1 : index
    %get3A_596 = arith.constant 0 : index
    %get3A_597 = vector.load %arg5[%get3A_595, %get3A_596] : memref<2x32xf32, #tpu.memory_space<vmem>>, vector<1x32xf32>
    %mul3A_598 = vector.broadcast %slice3A_564 : vector<1000x1xf32> to vector<1000x32xf32>
    %mul3A_599 = vector.broadcast %get3A_597 : vector<1x32xf32> to vector<1000x32xf32>
    %mul3A_600 = arith.mulf %mul3A_598, %mul3A_599 : vector<1000x32xf32>
    %add3A_601 = arith.addf %mul3A_594, %mul3A_600 : vector<1000x32xf32>
    %get3A_602 = arith.constant 0 : index
    %get3A_603 = arith.constant 0 : index
    %get3A_604 = vector.load %arg6[%get3A_602, %get3A_603] : memref<1x32xf32, #tpu.memory_space<vmem>>, vector<1x32xf32>
    %add3A_605 = vector.broadcast %get3A_604 : vector<1x32xf32> to vector<1000x32xf32>
    %add3A_606 = arith.addf %add3A_601, %add3A_605 : vector<1000x32xf32>
    %tanh3A_607 = math.tanh %add3A_606 : vector<1000x32xf32>
    %get3A_608 = arith.constant 0 : index
    %get3A_609 = arith.constant 10 : index
    %get3A_610 = memref.load %arg7[%get3A_608, %get3A_609] : memref<1x12xf32, #tpu.memory_space<smem>>
    %sub3A_611 = arith.constant 1.000000e+00 : f32
    %sub3A_612 = vector.broadcast %sub3A_611 : f32 to vector<1000x32xf32>
    %sub3A_613 = arith.subf %sub3A_612, %logistic3A_588 : vector<1000x32xf32>
    %mul3A_614 = vector.broadcast %get3A_610 : f32 to vector<1000x32xf32>
    %mul3A_615 = arith.mulf %mul3A_614, %sub3A_613 : vector<1000x32xf32>
    %mul3A_616 = arith.mulf %mul3A_615, %tanh3A_607 : vector<1000x32xf32>
    %add3A_617 = arith.addf %add3A_562, %mul3A_616 : vector<1000x32xf32>
    %slice3A_618 = vector.extract_strided_slice %mul3A_14 {offsets = [0, 11], sizes = [1000, 1], strides = [1, 1]} : vector<1000x24xf32> to vector<1000x1xf32>
    %slice3A_619 = vector.extract_strided_slice %mul3A_14 {offsets = [0, 23], sizes = [1000, 1], strides = [1, 1]} : vector<1000x24xf32> to vector<1000x1xf32>
    %get3A_620 = arith.constant 0 : index
    %get3A_621 = arith.constant 0 : index
    %get3A_622 = vector.load %arg3[%get3A_620, %get3A_621] : memref<2x32xf32, #tpu.memory_space<vmem>>, vector<1x32xf32>
    %mul3A_623 = vector.broadcast %slice3A_618 : vector<1000x1xf32> to vector<1000x32xf32>
    %mul3A_624 = vector.broadcast %get3A_622 : vector<1x32xf32> to vector<1000x32xf32>
    %mul3A_625 = arith.mulf %mul3A_623, %mul3A_624 : vector<1000x32xf32>
    %get3A_626 = arith.constant 1 : index
    %get3A_627 = arith.constant 0 : index
    %get3A_628 = vector.load %arg3[%get3A_626, %get3A_627] : memref<2x32xf32, #tpu.memory_space<vmem>>, vector<1x32xf32>
    %mul3A_629 = vector.broadcast %slice3A_619 : vector<1000x1xf32> to vector<1000x32xf32>
    %mul3A_630 = vector.broadcast %get3A_628 : vector<1x32xf32> to vector<1000x32xf32>
    %mul3A_631 = arith.mulf %mul3A_629, %mul3A_630 : vector<1000x32xf32>
    %add3A_632 = arith.addf %mul3A_625, %mul3A_631 : vector<1000x32xf32>
    %get3A_633 = arith.constant 0 : index
    %get3A_634 = arith.constant 0 : index
    %get3A_635 = vector.load %arg4[%get3A_633, %get3A_634] : memref<1x32xf32, #tpu.memory_space<vmem>>, vector<1x32xf32>
    %add3A_636 = vector.broadcast %get3A_635 : vector<1x32xf32> to vector<1000x32xf32>
    %add3A_637 = arith.addf %add3A_632, %add3A_636 : vector<1000x32xf32>
    %logistic3A_638 = arith.negf %add3A_637 : vector<1000x32xf32>
    %logistic3A_639 = math.exp %logistic3A_638 : vector<1000x32xf32>
    %logistic3A_640 = arith.constant 1.000000e+00 : f32
    %logistic3A_641 = vector.broadcast %logistic3A_640 : f32 to vector<1000x32xf32>
    %logistic3A_642 = arith.addf %logistic3A_641, %logistic3A_639 : vector<1000x32xf32>
    %logistic3A_643 = arith.divf %logistic3A_641, %logistic3A_642 : vector<1000x32xf32>
    %get3A_644 = arith.constant 0 : index
    %get3A_645 = arith.constant 0 : index
    %get3A_646 = vector.load %arg5[%get3A_644, %get3A_645] : memref<2x32xf32, #tpu.memory_space<vmem>>, vector<1x32xf32>
    %mul3A_647 = vector.broadcast %slice3A_618 : vector<1000x1xf32> to vector<1000x32xf32>
    %mul3A_648 = vector.broadcast %get3A_646 : vector<1x32xf32> to vector<1000x32xf32>
    %mul3A_649 = arith.mulf %mul3A_647, %mul3A_648 : vector<1000x32xf32>
    %get3A_650 = arith.constant 1 : index
    %get3A_651 = arith.constant 0 : index
    %get3A_652 = vector.load %arg5[%get3A_650, %get3A_651] : memref<2x32xf32, #tpu.memory_space<vmem>>, vector<1x32xf32>
    %mul3A_653 = vector.broadcast %slice3A_619 : vector<1000x1xf32> to vector<1000x32xf32>
    %mul3A_654 = vector.broadcast %get3A_652 : vector<1x32xf32> to vector<1000x32xf32>
    %mul3A_655 = arith.mulf %mul3A_653, %mul3A_654 : vector<1000x32xf32>
    %add3A_656 = arith.addf %mul3A_649, %mul3A_655 : vector<1000x32xf32>
    %get3A_657 = arith.constant 0 : index
    %get3A_658 = arith.constant 0 : index
    %get3A_659 = vector.load %arg6[%get3A_657, %get3A_658] : memref<1x32xf32, #tpu.memory_space<vmem>>, vector<1x32xf32>
    %add3A_660 = vector.broadcast %get3A_659 : vector<1x32xf32> to vector<1000x32xf32>
    %add3A_661 = arith.addf %add3A_656, %add3A_660 : vector<1000x32xf32>
    %tanh3A_662 = math.tanh %add3A_661 : vector<1000x32xf32>
    %get3A_663 = arith.constant 0 : index
    %get3A_664 = arith.constant 11 : index
    %get3A_665 = memref.load %arg7[%get3A_663, %get3A_664] : memref<1x12xf32, #tpu.memory_space<smem>>
    %sub3A_666 = arith.constant 1.000000e+00 : f32
    %sub3A_667 = vector.broadcast %sub3A_666 : f32 to vector<1000x32xf32>
    %sub3A_668 = arith.subf %sub3A_667, %logistic3A_643 : vector<1000x32xf32>
    %mul3A_669 = vector.broadcast %get3A_665 : f32 to vector<1000x32xf32>
    %mul3A_670 = arith.mulf %mul3A_669, %sub3A_668 : vector<1000x32xf32>
    %mul3A_671 = arith.mulf %mul3A_670, %tanh3A_662 : vector<1000x32xf32>
    %add3A_672 = arith.addf %add3A_617, %mul3A_671 : vector<1000x32xf32>
    %max3A = arith.constant 0.000000e+00 : f32
    %max3A_673 = vector.broadcast %max3A : f32 to vector<1000x32xf32>
    %max3A_674 = arith.maximumf %add3A_672, %max3A_673 : vector<1000x32xf32>
    %get3A_675 = arith.constant 0 : index
    %get3A_676 = arith.constant 0 : index
    %get3A_677 = vector.load %arg8[%get3A_675, %get3A_676] : memref<32x12xf32, #tpu.memory_space<vmem>>, vector<32x12xf32>
    %dot_general3A = arith.constant dense<0.000000e+00> : vector<1000x12xf32>
    %dot_general3A_678 = tpu.matmul %max3A_674, %get3A_677, %dot_general3A {dimension_numbers = #tpu.dot_dimension_numbers<[1], [0], [0], [1], [0, 0, 1, 1], [], []>, transpose_lhs_hint = false} : vector<1000x32xf32>, vector<32x12xf32>, vector<1000x12xf32> -> vector<1000x12xf32>
    %get3A_679 = arith.constant 0 : index
    %get3A_680 = arith.constant 0 : index
    %get3A_681 = vector.load %arg9[%get3A_679, %get3A_680] : memref<1x12xf32, #tpu.memory_space<vmem>>, vector<1x12xf32>
    %add3A_682 = vector.broadcast %get3A_681 : vector<1x12xf32> to vector<1000x12xf32>
    %add3A_683 = arith.addf %dot_general3A_678, %add3A_682 : vector<1000x12xf32>
    %swap3A = arith.constant 0 : index
    %swap3A_684 = arith.constant 0 : index
    %swap3A_685 = vector.load %arg10[%swap3A, %swap3A_684] : memref<1000x12xf32, #tpu.memory_space<vmem>>, vector<1000x12xf32>
    tpu.vector_store %arg10[%swap3A, %swap3A_684], %add3A_683 {strides = array<i32>} : memref<1000x12xf32, #tpu.memory_space<vmem>>, vector<1000x12xf32>,
    return
  }
  func.func @transform_0(%arg0: i32) -> (i32, i32, i32) {
    %c0_i32 = arith.constant 0 : i32
    %c0_i32_0 = arith.constant 0 : i32
    %c0_i32_1 = arith.constant 0 : i32
    return %c0_i32, %arg0, %c0_i32_0 : i32, i32, i32
  }
  func.func @transform_1(%arg0: i32) -> (i32, i32) {
    %c0_i32 = arith.constant 0 : i32
    %c0_i32_0 = arith.constant 0 : i32
    return %arg0, %c0_i32 : i32, i32
  }
  func.func @transform_2(%arg0: i32) -> (i32, i32) {
    %c0_i32 = arith.constant 0 : i32
    %c0_i32_0 = arith.constant 0 : i32
    %c0_i32_1 = arith.constant 0 : i32
    return %c0_i32, %c0_i32_0 : i32, i32
  }
  func.func @transform_3(%arg0: i32) -> (i32, i32) {
    %c0_i32 = arith.constant 0 : i32
    %c0_i32_0 = arith.constant 0 : i32
    %c0_i32_1 = arith.constant 0 : i32
    return %c0_i32, %c0_i32_0 : i32, i32
  }
  func.func @transform_4(%arg0: i32) -> (i32, i32) {
    %c0_i32 = arith.constant 0 : i32
    %c0_i32_0 = arith.constant 0 : i32
    %c0_i32_1 = arith.constant 0 : i32
    return %c0_i32, %c0_i32_0 : i32, i32
  }
  func.func @transform_5(%arg0: i32) -> (i32, i32) {
    %c0_i32 = arith.constant 0 : i32
    %c0_i32_0 = arith.constant 0 : i32
    %c0_i32_1 = arith.constant 0 : i32
    return %c0_i32, %c0_i32_0 : i32, i32
  }
  func.func @transform_6(%arg0: i32) -> (i32, i32) {
    %c0_i32 = arith.constant 0 : i32
    %c0_i32_0 = arith.constant 0 : i32
    %c0_i32_1 = arith.constant 0 : i32
    return %c0_i32, %c0_i32_0 : i32, i32
  }
  func.func @transform_7(%arg0: i32) -> (i32, i32) {
    %c0_i32 = arith.constant 0 : i32
    %c0_i32_0 = arith.constant 0 : i32
    %c0_i32_1 = arith.constant 0 : i32
    return %c0_i32, %c0_i32_0 : i32, i32
  }
  func.func @transform_8(%arg0: i32) -> (i32, i32) {
    %c0_i32 = arith.constant 0 : i32
    %c0_i32_0 = arith.constant 0 : i32
    %c0_i32_1 = arith.constant 0 : i32
    return %c0_i32, %c0_i32_0 : i32, i32
  }
  func.func @transform_9(%arg0: i32) -> (i32, i32) {
    %c0_i32 = arith.constant 0 : i32
    %c0_i32_0 = arith.constant 0 : i32
    return %arg0, %c0_i32 : i32, i32
  }
}

</mosaic_0001>

<sc_bundles>
// kernel: kernel.6.cloned.1.call-start
scs
__scs_entry_jumppad:
0x0: {  	(pc) =	sbr.rel $0x88, $3  }
0x1: {  	(tag) =	ssettag $0x0;
	lr =	simm.s32 $0x1  }
0x2: {  	[smem:$0x3F94] =	sst lr;
	_ =	strace $0xD0000000  }
0x3: {  	_ = 	snop  }
0x4: {  	_ = 	snop  }
0x5: {  	_ = 	snop  }
0x6: {  	_ = 	snop  }
0x7: {  	_ = 	snop  }
__scs_overlays_trampoline_lowered:
0x8: {  	[smem:$0x3FA3] =	sst s0  }
0x9: {  	[smem:$0x3FA4] =	sst s1  }
0xa: {  	[smem:$0x3FA5] =	sst s2  }
0xb: {  	[smem:$0x3FA6] =	sst s3  }
0xc: {  	[smem:$0x3FA7] =	sst s4  }
0xd: {  	[smem:$0x3FA8] =	sst s5  }
0xe: {  	[smem:$0x3FA9] =	sst s6  }
0xf: {  	[smem:$0x3FAA] =	sst s7  }
0x10: {  	[smem:$0x3FAB] =	sst s8  }
0x11: {  	[smem:$0x3FAC] =	sst s9;
	s0 =	simm.s32 @!p0 $0x0  }
0x12: {  	s1 =	sld [smem:$0x3F92];
	s0 =	simm.s32 @p0 $0x1  }
0x13: {  	[smem:$0x3FAD] =	sst s0;
	s0 =	simm.s32 @!p1 $0x0  }
0x14: {  	s2 =	sld [smem:$0x3F91];
	s0 =	simm.s32 @p1 $0x1  }
0x15: {  	[smem:$0x3FAE] =	sst s0;
	s0 =	simm.s32 @!p2 $0x0  }
0x16: {  	s3 =	sld [smem:$0x3FDB];
	s0 =	simm.s32 @p2 $0x1  }
0x17: {  	s4 =	simm.s32 $0x1BF5;
	[smem:$0x3FB0] =	sst s0  }
0x18: {  	s0 =	sld [smem:$0x3F93];
	_ =	swait.ge [sflag:s4], $0x0  }
0x19: {  	s7 =	sld [smem:$0x3F94]  }
0x1a: {  	s8 =	sadd.s32 $0xFFFFE003, lr  }
0x1b: {  	s9 =	sadd.s32 $0xFFFFFEF7, lr;
	s5 =	simm.s32 $0xFFFFFFFF;
	p2 =	slt.u32 s8, $0xFFFFF086  }
0x1c: {  	p1 =	slt.u32 s9, $0xF7A;
	s5 =	simm.s32 @!p2 $0x0  }
0x1d: {  	s5 =	simm.s32 @p1 $0x1;
	p0 =	seq.s32 s7, s2  }
0x1e: {  	s7 =	smul.u32 @!p0 $0xF7A, s2;
	p2 =	seq.s32 @!p0 s5, $0x0  }
0x1f: {  	s9 =	smul.u32 $0xF7A, s1;
	s8 =	simm.s32 @!p0 $0x1BF5;
	p2 =	por !p2, p0  }
0x20: {  	[sflag:s8] =	ssyncset.s32 @!p0 $0xFFFFF086;
	s6 =	sadd.s32 @!p0 s3, s7;
	s7 =	simm.s32 @!p0 $0x108  }
0x21: {  	s3 =	sadd.s32 s3, s9;
	s6 =	sadd.s32 @!p0 $0x88, s6;
	s7 =	simm.s32 @p2 $0x1082  }
0x22: {  	[simem:s7], [sflag:s8] =	dma.local @!p0 [hbm:s6], $0xF7A  }
0x23: {  	s9 =	sor.u32 $0xD0000000, s2;
	s6 =	simm.s32 $0x108;
	_ =	swait.ge @!p0 [sflag:s8], $0x0  }
0x24: {  	s3 =	sadd.s32 $0x88, s3;
	s6 =	simm.s32 @!p1 $0x1082;
	[sflag:s4] =	ssyncset.s32 $0xFFFFF086  }
0x25: {  	[simem:s6], [sflag:s4] =	dma.local [hbm:s3], $0xF7A  }
0x26: {  	[smem:$0x3F94] =	sst s1;
	(tag) =	ssettag s2;
	_ =	strace s9  }
0x27: {  	s1 =	sld [smem:$0x3FA4]  }
0x28: {  	s2 =	sld [smem:$0x3FA5]  }
0x29: {  	s4 =	sld [smem:$0x3FA7]  }
0x2a: {  	p0 =	seq.s32 s5, $0x0;
	s5 =	sld [smem:$0x3FA8]  }
0x2b: {  	s6 =	sld [smem:$0x3FA9]  }
0x2c: {  	s7 =	sld [smem:$0x3FAA]  }
0x2d: {  	s3 =	simm.s32 $0x108;
	s8 =	sld [smem:$0x3FAB]  }
0x2e: {  	s3 =	simm.s32 @!p0 $0x1082;
	s9 =	sld [smem:$0x3FAC]  }
0x2f: {  	lr =	sadd.s32 s0, s3;
	s0 =	sld [smem:$0x3FA3]  }
0x30: {  	s3 =	sld [smem:$0x3FA6]  }
0x31: {  	[smem:$0x3FAF] =	sst s10  }
0x32: {  	s10 =	sld [smem:$0x3FAD];
	_ =	sdelay $0x3  }
0x33: {  	p0 =	seq.s32 s10, $0x1;
	s10 =	sld [smem:$0x3FAF];
	_ =	sdelay $0x3  }
0x34: {  	[smem:$0x3FAF] =	sst s10  }
0x35: {  	s10 =	sld [smem:$0x3FAE];
	_ =	sdelay $0x3  }
0x36: {  	p1 =	seq.s32 s10, $0x1;
	s10 =	sld [smem:$0x3FAF];
	_ =	sdelay $0x3  }
0x37: {  	[smem:$0x3FAF] =	sst s10  }
0x38: {  	s10 =	sld [smem:$0x3FB0]  }
0x39: {  	_ = 	snop;
	(pc) =	sbr.ind lr, $3  }
0x3a: {  	_ = 	snop  }
0x3b: {  	_ = 	snop  }
0x3c: {  	p2 =	seq.s32 s10, $0x1;
	s10 =	sld [smem:$0x3FAF]  }
0x3d: {  	_ =	shalt  }
0x3e: {  	_ =	shalt  }
0x3f: {  	_ =	shalt  }
0x40: {  	_ =	shalt  }
0x41: {  	_ =	shalt  }
0x42: {  	_ =	shalt  }
0x43: {  	_ =	shalt  }
0x44: {  	_ =	shalt  }
0x45: {  	_ =	shalt  }
0x46: {  	_ =	shalt  }
0x47: {  	_ =	shalt  }
0x48: {  	_ =	shalt  }
0x49: {  	_ =	shalt  }
0x4a: {  	_ =	shalt  }
0x4b: {  	_ =	shalt  }
0x4c: {  	_ =	shalt  }
0x4d: {  	_ =	shalt  }
0x4e: {  	_ =	shalt  }
0x4f: {  	_ =	shalt  }
0x50: {  	_ =	shalt  }
0x51: {  	_ =	shalt  }
0x52: {  	_ =	shalt  }
0x53: {  	_ =	shalt  }
0x54: {  	_ =	shalt  }
0x55: {  	_ =	shalt  }
0x56: {  	_ =	shalt  }
0x57: {  	_ =	shalt  }
0x58: {  	_ =	shalt  }
0x59: {  	_ =	shalt  }
0x5a: {  	_ =	shalt  }
0x5b: {  	_ =	shalt  }
0x5c: {  	_ =	shalt  }
0x5d: {  	_ =	shalt  }
0x5e: {  	_ =	shalt  }
0x5f: {  	_ =	shalt  }
0x60: {  	_ =	shalt  }
0x61: {  	_ =	shalt  }
0x62: {  	_ =	shalt  }
0x63: {  	_ =	shalt  }
0x64: {  	_ =	shalt  }
0x65: {  	_ =	shalt  }
0x66: {  	_ =	shalt  }
0x67: {  	_ =	shalt  }
0x68: {  	_ =	shalt  }
0x69: {  	_ =	shalt  }
0x6a: {  	_ =	shalt  }
0x6b: {  	_ =	shalt  }
0x6c: {  	_ =	shalt  }
0x6d: {  	_ =	shalt  }
0x6e: {  	_ =	shalt  }
0x6f: {  	_ =	shalt  }
0x70: {  	_ =	shalt  }
0x71: {  	_ =	shalt  }
0x72: {  	_ =	shalt  }
0x73: {  	_ =	shalt  }
0x74: {  	_ =	shalt  }
0x75: {  	_ =	shalt  }
0x76: {  	_ =	shalt  }
0x77: {  	_ =	shalt  }
0x78: {  	_ =	shalt  }
0x79: {  	_ =	shalt  }
0x7a: {  	_ =	shalt  }
0x7b: {  	_ =	shalt  }
0x7c: {  	_ =	shalt  }
0x7d: {  	_ =	shalt  }
0x7e: {  	_ =	shalt  }
0x7f: {  	_ =	shalt  }
0x80: {  	_ =	shalt  }
0x81: {  	_ =	shalt  }
0x82: {  	_ =	shalt  }
0x83: {  	_ =	shalt  }
0x84: {  	_ =	shalt  }
0x85: {  	_ =	shalt  }
0x86: {  	_ =	shalt  }
0x87: {  	_ =	shalt  }
.Lfunc_end0:
.L_simem_size_0:
called_computation_lowered:
.L_overlay_start_0:
0x88: {  	s2 =	sld [smem:$0x3FD9]  }
0x89: {  	s3 =	sld [smem:$0x3FFE];
	_ =	sdelay $0x1  }
0x8a: {  	s1 =	srdreg.scid  }
0x8b: {  	s0 =	sand.u32 $0x1, s1  }
0x8c: {  	s16 =	sshll.u32 s0, $0xA;
	s2 =	sadd.s32 s3, s2  }
0x8d: {  	s2 =	sadd.s32 s2, s16  }
0x8e: {  	[smem:$0x3FBB] =	sst s2  }
0x8f: {  	_ = 	snop  }
0x90: {  	(tm) =	ssettm $0x1  }
0x91: {  	s17 =	sld [smem:$0x3FFB];
	_ =	sdelay $0x3  }
0x92: {  	_ =	strace s17  }
0x93: {  	s2 =	sld [smem:$0x3FFC];
	_ =	sdelay $0x3  }
0x94: {  	_ =	strace s2  }
0x95: {  	s2 =	sld [smem:$0x3FFD];
	_ =	sdelay $0x3  }
0x96: {  	_ =	strace s2  }
0x97: {  	_ =	strace $0x8FFFFFFF  }
0x98: {  	s18 =	sld [smem:$0x3FDB];
	_ =	sdelay $0x1  }
0x99: {  	s19 =	simm.s32 $_scs_section_size  }
0x9a: {  	s4 =	simm.s32 $_size__tile_overlayer_lowered;
	s5 =	simm.s32 $_tile_overlayer_lowered  }
0x9b: {  	s22 =	simm.s32 $0x1BFF;
	s21 =	sshll.u32 s5, $0x1;
	s2 =	sadd.s32 s19, s18  }
0x9c: {  	s6 =	simm.s32 $0x0;
	s20 =	sshll.u32 s4, $0x1;
	s4 =	sadd.s32 s21, s2  }
0x9d: {  	[timem:s6], [sflag:s22] =	dma.local [hbm:s4], s20  }
0x9e: {  	_ =	swait.ge [sflag:s22], s20  }
0x9f: {  	s3 =	ssub.s32 $0x0, s20;
	[sflag:s22] =	ssyncset.done $0x0  }
0xa0: {  	[sflag:s22] =	ssyncadd.s32 s3;
	_ =	sdelay $0x1  }
0xa1: {  	s23 =	simm.s32 $0x1B8B  }
0xa2: {  	_ =	swait.ge [sflag:s23], $0x1  }
0xa3: {  	[sflag:s23] =	ssyncset.done $0x0  }
0xa4: {  	s25 =	simm.s32 $0x1B8E;
	s24 =	sld [smem:$0x3FFE];
	[sflag:s23] =	ssyncadd.s32 $0xFFFFFFFF  }
0xa5: {  	s26 =	simm.s32 $execute0_lowered;
	[smem:$0x3FD2] =	sst s25  }
0xa6: {  	s4 =	sshll.u32 s26, $0x1;
	_ =	strace $0x80000046;
	[dreg:$0x1] =	wrdreg $0xFFFFFFFF  }
0xa7: {  	s28 =	simm.s32 $_size_execute0_lowered;
	s2 =	sadd.s32 s2, s4;
	[dreg:$0x0] =	wrdreg $0x0  }
0xa8: {  	s4 =	sshll.u32 s28, $0x1;
	[dreg:$0x2] =	wrdreg s2  }
0xa9: {  	[dreg:$0x3] =	wrdreg s4  }
0xaa: {  	[dreg:$0x4] =	wrdreg $0xC0  }
0xab: {  	_ =	task [dreg:s6], $0x5FFFF  }
0xac: {  	[dreg:$0x1] =	wrdreg $0xFFFFFFFF  }
0xad: {  	[dreg:$0x0] =	wrdreg $0x60  }
0xae: {  	[dreg:$0x2] =	wrdreg s24  }
0xaf: {  	[dreg:$0x3] =	wrdreg $0x30000  }
0xb0: {  	[dreg:$0x4] =	wrdreg $0x9  }
0xb1: {  	_ =	task.clear_ibuf [dreg:s6], $0x5FFFF;
	_ =	strace $0x90000046  }
0xb2: {  	s29 =	simm.s32 $0x9;
	_ =	strace $0x80000048  }
0xb3: {  	_ =	swait.ge [sflag:s29], $0x1  }
0xb4: {  	[sflag:s29] =	ssyncadd.s32 $0xFFFFFFFF  }
0xb5: {  	_ =	strace $0x90000048  }
0xb6: {  	_ =	sfence  }
0xb7: {  	s30 =	sld [smem:$0x0];
	_ =	sdelay $0x2  }
0xb8: {  	s31 =	sshll.u32 s1, $0xD;
	s1 =	sshrl.u32 s1, $0x2  }
0xb9: {  	s3 =	sand.u32 $0x4000, s31;
	s1 =	sadd.s32 s1, s30  }
0xba: {  	s0 =	sor.u32 s3, s0;
	s1 =	sshll.u32 s1, $0x11  }
0xbb: {  	s0 =	sor.u32 s1, s0  }
0xbc: {  	s0 =	sadd.s32 $0x8F2B, s0  }
0xbd: {  	[sflag:s0] =	ssyncadd.remote.s32 $0x1  }
0xbe: {  	_ =	sfence.sel $0xFFFF  }
0xbf: {  	[dreg:$0x0] =	wrdreg $0xFFFFFFFF;
	(pc) =	sbr.abs _section_cstart, $3  }
0xc0: {  	[dreg:$0x1] =	wrdreg $0xFFFFFFFF  }
0xc1: {  	_ =	task.clear_ibuf [dreg:s6], $0x2FFFF;
	_ =	strace $0x9FFFFFFF  }
0xc2: {  	(tm) =	ssettm $0x7FFFFFFF  }
0xc3: {  	_ =	shalt  }
tec
execute0_lowered:
.L_overlay_start_1:
0x0: {  	(tag) =	ssettag $0x1  }
0x1: {  	s1 =	srdreg.scid;
	s6 =	rddreg [dreg:$0x0]  }
0x2: {  	s0 =	stileid.u32;
	s2 =	rddreg [dreg:$0x1]  }
0x3: {  	s3 =	simm.s32 $0x0;
	s4 =	sand.u32 $0x1, s1;
	s5 =	smul.u32 $0x2780, s0  }
0x4: {  	s8 =	simm.s32 $0x880;
	s9 =	simm.s32 $0x1;
	s7 =	smul.u32 $0x27800, s4  }
0x5: {  	s10 =	simm.s32 $0x80;
	s11 =	simm.s32 $0x0;
	s1 =	rddreg [dreg:$0x2]  }
0x6: {  	[smem:$0x7FF] =	sst s3;
	s4 =	ssub.s32 $0x2, s4;
	s7 =	sadd.s32 s5, s7  }
0x7: {  	_ =	strace $0x80000047;
	s31 =	sshrl.u32 s4, $0x1;
	s7 =	sshrl.u32 s7, $0x3  }
0x8: {  	s7 =	sadd.s32 s7, s6;
	s6 =	ssub.s32 s4, s31;
	s4 =	sadd.s32 s5, s2  }
0x9: {  	v0 =	vimm.f32 $1.000000000e+00;
	v1 =	vimm.f32 $0.0e+00;
	s5 =	sadd.s32 $0xAA00, s7;
	s6 =	smax.u32 s6, $0x1;
	s7 =	sadd.s32 $0xC00, s7  }
.LBB2_1:
0xa: {  	s12 =	simm.s32 $0x0  }
.LBB2_2:
0xb: {  	p0 =	sne.s32 s12, $0x1FC0  }
.Ltmp0:
0xc: {  	_ = 	snop;
	(pc) =	sbr.rel @p0 .LBB2_2-.Ltmp0, $3  }
0xd: {  	_ =	sdelay $0x1  }
0xe: {  	s13 =	sshra.s32 s12, $0x2  }
0xf: {  	s12 =	sadd.s32 $0x40, s12;
	[tilespmem:s13+$0x80] =	vst v0  }
0x10: {  	s12 =	simm.s32 $0x40;
	s13 =	simm.s32 $0x0  }
.LBB2_4:
0x11: {  	p0 =	sne.s32 s12, $0x9DC0;
	[tilespmem:s13+$0x880] =	vst v1;
	s13 =	smov.u32 s12;
	s12 =	sadd.s32 $0x40, s12  }
.Ltmp1:
0x12: {  	(pc) =	sbr.rel @p0 .LBB2_4-.Ltmp1, $2  }
0x13: {  	_ =	sdelay $0x2  }
0x14: {  	s13 =	sshra.s32 s13, $0x2  }
0x15: {  	[tilespmem:s13+$0x880] =	vst v1  }
0x16: {  	[spmem:s4] =	stream.linear.scatter [tilespmem:s8], [sflag:$0x1], $0x2780, $0x38;
	[tilespmem:$0x5780] =	vst v63  }
0x17: {  	_ =	swait.ge [sflag:s9], $0x2780  }
0x18: {  	[sflag:s9] =	ssyncset.done $0x0  }
0x19: {  	[sflag:s9] =	ssyncadd.s32 $0xFFFFD880  }
0x1a: {  	s12 =	sadd.s32 $0x0, s7;
	[bflag:$0x0] =	sbarrier.arrive $0xFFFF  }
0x1b: {  	[tilespmem:s3], [sflag:$0x1] =	stream.linear.gather [hbm4b:s12+s3], $0x80, $0x38;
	[tilespmem:$0x5780] =	vst v63  }
0x1c: {  	_ =	swait.ge [sflag:s9], $0x80  }
0x1d: {  	[sflag:s9] =	ssyncset.done $0x0  }
0x1e: {  	[sflag:s9] =	ssyncadd.s32 $0xFFFFFF80  }
0x1f: {  	[spmem:s2] =	stream.indirect.scatter.add.f32 [tilespmem:s10], [sflag:$0x1], $0x10, s3, s10, $0xb8;
	[tilespmem:$0x5780] =	vst v63  }
0x20: {  	_ =	swait.ge [sflag:s9], $0x800  }
0x21: {  	s13 =	simm.s32 $0x20;
	s12 =	simm.s32 $0x10;
	[sflag:s9] =	ssyncset.done $0x0  }
.LBB2_6:
0x22: {  	s14 =	sadd.s32 s12, s7  }
0x23: {  	[sflag:s9] =	ssyncadd.s32 $0xFFFFF800;
	s12 =	smov.u32 s13;
	s15 =	sadd.s32 $0x10, s13  }
0x24: {  	[tilespmem:s3], [sflag:$0x1] =	stream.linear.gather [hbm4b:s14+s3], $0x80, $0x38;
	[tilespmem:$0x5780] =	vst v63  }
0x25: {  	p0 =	sne.s32 s13, $0x4E0;
	_ =	swait.ge [sflag:s9], $0x80  }
.Ltmp2:
0x26: {  	[sflag:s9] =	ssyncset.done $0x0;
	(pc) =	sbr.rel @p0 .LBB2_6-.Ltmp2, $4  }
0x27: {  	[sflag:s9] =	ssyncadd.s32 $0xFFFFFF80  }
0x28: {  	[spmem:s2] =	stream.indirect.scatter.add.f32 [tilespmem:s10], [sflag:$0x1], $0x10, s3, s10, $0xb8;
	[tilespmem:$0x5780] =	vst v63  }
0x29: {  	_ =	swait.ge [sflag:s9], $0x800  }
0x2a: {  	s13 =	smov.u32 s15;
	[sflag:s9] =	ssyncset.done $0x0  }
0x2b: {  	s12 =	sadd.s32 s12, s7;
	[sflag:s9] =	ssyncadd.s32 $0xFFFFF800  }
0x2c: {  	[tilespmem:s3], [sflag:$0x1] =	stream.linear.gather [hbm4b:s12+s3], $0x80, $0x38;
	[tilespmem:$0x5780] =	vst v63  }
0x2d: {  	_ =	swait.ge [sflag:s9], $0x80  }
0x2e: {  	[sflag:s9] =	ssyncset.done $0x0  }
0x2f: {  	[sflag:s9] =	ssyncadd.s32 $0xFFFFFF80  }
0x30: {  	[spmem:s2] =	stream.indirect.scatter.add.f32 [tilespmem:s10], [sflag:$0x1], $0x10, s3, s10, $0xb8;
	[tilespmem:$0x5780] =	vst v63  }
0x31: {  	_ =	swait.ge [sflag:s9], $0x800  }
0x32: {  	[sflag:s9] =	ssyncset.done $0x0  }
0x33: {  	[sflag:s9] =	ssyncadd.s32 $0xFFFFF800  }
0x34: {  	[bflag:$0x0] =	sbarrier.arrive $0xFFFF  }
0x35: {  	[tilespmem:s8], [sflag:$0x1] =	stream.linear.gather [spmem:s4], $0x2780, $0x38;
	[tilespmem:$0x5780] =	vst v63  }
0x36: {  	s11 =	sadd.s32 $0x1, s11;
	_ =	swait.ge [sflag:s9], $0x2780  }
0x37: {  	p0 =	sne.s32 s11, s6;
	[sflag:s9] =	ssyncset.done $0x0  }
.Ltmp3:
0x38: {  	[sflag:s9] =	ssyncadd.s32 $0xFFFFD880;
	(pc) =	sbr.rel @p0 .LBB2_1-.Ltmp3, $4  }
0x39: {  	[hbm4b:s5+s3] =	stream.linear.scatter [tilespmem:s8], [sflag:$0x1], $0x2780, $0x38;
	[tilespmem:$0x5780] =	vst v63  }
0x3a: {  	_ =	swait.ge [sflag:s9], $0x2780  }
0x3b: {  	[sflag:s9] =	ssyncset.done $0x0  }
0x3c: {  	[sflag:s9] =	ssyncadd.s32 $0xFFFFD880  }
0x3d: {  	_ =	sfence.sel $0x180000  }
0x3e: {  	[bflag:$0x0] =	sbarrier.arrive $0xFFFF  }
0x3f: {  	p0 =	sne.s32 s0, $0x0;
	_ =	strace $0x90000047  }
0x40: {  	s0 =	sadd.s32 @!p0 $0x100000, s1;
	[bflag:$0x2] =	sbarrier.arrive $0xFFFF  }
0x41: {  	[sflag:s0] =	ssyncadd.tile.s32 @!p0 $0x1;
	_ =	shalt  }
.Lfunc_end2:
_tile_overlayer_lowered:
.L_overlay_start_2:
0x42: {  	(tag) =	ssettag $0x2  }
0x43: {  	s0 =	rddreg [dreg:$0x0];
	s2 =	stileid.u32  }
0x44: {  	s1 =	rddreg [dreg:$0x1];
	p0 =	sne.s32 s2, $0x0  }
0x45: {  	s3 =	rddreg [dreg:$0x2];
	[bflag:$0x3] =	sbarrier.arrive $0xFFFF;
	s2 =	simm.s32 @!p0 $0x1C01  }
0x46: {  	[timem:s3], [sflag:s2] =	dma.local @!p0 [hbm:s0], s1  }
0x47: {  	s0 =	simm.s32 @!p0 $0x1  }
0x48: {  	_ =	swait.ge @!p0 [sflag:s0], s1  }
0x49: {  	s1 =	ssub.s32 @!p0 $0x0, s1;
	[sflag:s0] =	ssyncset.done @!p0 $0x0  }
0x4a: {  	[sflag:s0] =	ssyncadd.s32 @!p0 s1  }
0x4b: {  	[bflag:$0x3] =	sbarrier.arrive $0xFFFF  }
0x4c: {  	_ =	shalt  }

// kernel: kernel.9.cloned.1.call-start
scs
__scs_entry_jumppad:
0x0: {  	(pc) =	sbr.rel $0x88, $3  }
0x1: {  	(tag) =	ssettag $0x0;
	lr =	simm.s32 $0x1  }
0x2: {  	[smem:$0x3F94] =	sst lr;
	_ =	strace $0xD0000000  }
0x3: {  	_ = 	snop  }
0x4: {  	_ = 	snop  }
0x5: {  	_ = 	snop  }
0x6: {  	_ = 	snop  }
0x7: {  	_ = 	snop  }
__scs_overlays_trampoline_lowered:
0x8: {  	[smem:$0x3FA3] =	sst s0  }
0x9: {  	[smem:$0x3FA4] =	sst s1  }
0xa: {  	[smem:$0x3FA5] =	sst s2  }
0xb: {  	[smem:$0x3FA6] =	sst s3  }
0xc: {  	[smem:$0x3FA7] =	sst s4  }
0xd: {  	[smem:$0x3FA8] =	sst s5  }
0xe: {  	[smem:$0x3FA9] =	sst s6  }
0xf: {  	[smem:$0x3FAA] =	sst s7  }
0x10: {  	[smem:$0x3FAB] =	sst s8  }
0x11: {  	[smem:$0x3FAC] =	sst s9;
	s0 =	simm.s32 @!p0 $0x0  }
0x12: {  	s1 =	sld [smem:$0x3F92];
	s0 =	simm.s32 @p0 $0x1  }
0x13: {  	[smem:$0x3FAD] =	sst s0;
	s0 =	simm.s32 @!p1 $0x0  }
0x14: {  	s2 =	sld [smem:$0x3F91];
	s0 =	simm.s32 @p1 $0x1  }
0x15: {  	[smem:$0x3FAE] =	sst s0;
	s0 =	simm.s32 @!p2 $0x0  }
0x16: {  	s3 =	sld [smem:$0x3FDB];
	s0 =	simm.s32 @p2 $0x1  }
0x17: {  	s4 =	simm.s32 $0x1BF5;
	[smem:$0x3FB0] =	sst s0  }
0x18: {  	s0 =	sld [smem:$0x3F93];
	_ =	swait.ge [sflag:s4], $0x0  }
0x19: {  	s7 =	sld [smem:$0x3F94]  }
0x1a: {  	s8 =	sadd.s32 $0xFFFFE003, lr  }
0x1b: {  	s9 =	sadd.s32 $0xFFFFFEF7, lr;
	s5 =	simm.s32 $0xFFFFFFFF;
	p2 =	slt.u32 s8, $0xFFFFF086  }
0x1c: {  	p1 =	slt.u32 s9, $0xF7A;
	s5 =	simm.s32 @!p2 $0x0  }
0x1d: {  	s5 =	simm.s32 @p1 $0x1;
	p0 =	seq.s32 s7, s2  }
0x1e: {  	s7 =	smul.u32 @!p0 $0xF7A, s2;
	p2 =	seq.s32 @!p0 s5, $0x0  }
0x1f: {  	s9 =	smul.u32 $0xF7A, s1;
	s8 =	simm.s32 @!p0 $0x1BF5;
	p2 =	por !p2, p0  }
0x20: {  	[sflag:s8] =	ssyncset.s32 @!p0 $0xFFFFF086;
	s6 =	sadd.s32 @!p0 s3, s7;
	s7 =	simm.s32 @!p0 $0x108  }
0x21: {  	s3 =	sadd.s32 s3, s9;
	s6 =	sadd.s32 @!p0 $0x88, s6;
	s7 =	simm.s32 @p2 $0x1082  }
0x22: {  	[simem:s7], [sflag:s8] =	dma.local @!p0 [hbm:s6], $0xF7A  }
0x23: {  	s9 =	sor.u32 $0xD0000000, s2;
	s6 =	simm.s32 $0x108;
	_ =	swait.ge @!p0 [sflag:s8], $0x0  }
0x24: {  	s3 =	sadd.s32 $0x88, s3;
	s6 =	simm.s32 @!p1 $0x1082;
	[sflag:s4] =	ssyncset.s32 $0xFFFFF086  }
0x25: {  	[simem:s6], [sflag:s4] =	dma.local [hbm:s3], $0xF7A  }
0x26: {  	[smem:$0x3F94] =	sst s1;
	(tag) =	ssettag s2;
	_ =	strace s9  }
0x27: {  	s1 =	sld [smem:$0x3FA4]  }
0x28: {  	s2 =	sld [smem:$0x3FA5]  }
0x29: {  	s4 =	sld [smem:$0x3FA7]  }
0x2a: {  	p0 =	seq.s32 s5, $0x0;
	s5 =	sld [smem:$0x3FA8]  }
0x2b: {  	s6 =	sld [smem:$0x3FA9]  }
0x2c: {  	s7 =	sld [smem:$0x3FAA]  }
0x2d: {  	s3 =	simm.s32 $0x108;
	s8 =	sld [smem:$0x3FAB]  }
0x2e: {  	s3 =	simm.s32 @!p0 $0x1082;
	s9 =	sld [smem:$0x3FAC]  }
0x2f: {  	lr =	sadd.s32 s0, s3;
	s0 =	sld [smem:$0x3FA3]  }
0x30: {  	s3 =	sld [smem:$0x3FA6]  }
0x31: {  	[smem:$0x3FAF] =	sst s10  }
0x32: {  	s10 =	sld [smem:$0x3FAD];
	_ =	sdelay $0x3  }
0x33: {  	p0 =	seq.s32 s10, $0x1;
	s10 =	sld [smem:$0x3FAF];
	_ =	sdelay $0x3  }
0x34: {  	[smem:$0x3FAF] =	sst s10  }
0x35: {  	s10 =	sld [smem:$0x3FAE];
	_ =	sdelay $0x3  }
0x36: {  	p1 =	seq.s32 s10, $0x1;
	s10 =	sld [smem:$0x3FAF];
	_ =	sdelay $0x3  }
0x37: {  	[smem:$0x3FAF] =	sst s10  }
0x38: {  	s10 =	sld [smem:$0x3FB0]  }
0x39: {  	_ = 	snop;
	(pc) =	sbr.ind lr, $3  }
0x3a: {  	_ = 	snop  }
0x3b: {  	_ = 	snop  }
0x3c: {  	p2 =	seq.s32 s10, $0x1;
	s10 =	sld [smem:$0x3FAF]  }
0x3d: {  	_ =	shalt  }
0x3e: {  	_ =	shalt  }
0x3f: {  	_ =	shalt  }
0x40: {  	_ =	shalt  }
0x41: {  	_ =	shalt  }
0x42: {  	_ =	shalt  }
0x43: {  	_ =	shalt  }
0x44: {  	_ =	shalt  }
0x45: {  	_ =	shalt  }
0x46: {  	_ =	shalt  }
0x47: {  	_ =	shalt  }
0x48: {  	_ =	shalt  }
0x49: {  	_ =	shalt  }
0x4a: {  	_ =	shalt  }
0x4b: {  	_ =	shalt  }
0x4c: {  	_ =	shalt  }
0x4d: {  	_ =	shalt  }
0x4e: {  	_ =	shalt  }
0x4f: {  	_ =	shalt  }
0x50: {  	_ =	shalt  }
0x51: {  	_ =	shalt  }
0x52: {  	_ =	shalt  }
0x53: {  	_ =	shalt  }
0x54: {  	_ =	shalt  }
0x55: {  	_ =	shalt  }
0x56: {  	_ =	shalt  }
0x57: {  	_ =	shalt  }
0x58: {  	_ =	shalt  }
0x59: {  	_ =	shalt  }
0x5a: {  	_ =	shalt  }
0x5b: {  	_ =	shalt  }
0x5c: {  	_ =	shalt  }
0x5d: {  	_ =	shalt  }
0x5e: {  	_ =	shalt  }
0x5f: {  	_ =	shalt  }
0x60: {  	_ =	shalt  }
0x61: {  	_ =	shalt  }
0x62: {  	_ =	shalt  }
0x63: {  	_ =	shalt  }
0x64: {  	_ =	shalt  }
0x65: {  	_ =	shalt  }
0x66: {  	_ =	shalt  }
0x67: {  	_ =	shalt  }
0x68: {  	_ =	shalt  }
0x69: {  	_ =	shalt  }
0x6a: {  	_ =	shalt  }
0x6b: {  	_ =	shalt  }
0x6c: {  	_ =	shalt  }
0x6d: {  	_ =	shalt  }
0x6e: {  	_ =	shalt  }
0x6f: {  	_ =	shalt  }
0x70: {  	_ =	shalt  }
0x71: {  	_ =	shalt  }
0x72: {  	_ =	shalt  }
0x73: {  	_ =	shalt  }
0x74: {  	_ =	shalt  }
0x75: {  	_ =	shalt  }
0x76: {  	_ =	shalt  }
0x77: {  	_ =	shalt  }
0x78: {  	_ =	shalt  }
0x79: {  	_ =	shalt  }
0x7a: {  	_ =	shalt  }
0x7b: {  	_ =	shalt  }
0x7c: {  	_ =	shalt  }
0x7d: {  	_ =	shalt  }
0x7e: {  	_ =	shalt  }
0x7f: {  	_ =	shalt  }
0x80: {  	_ =	shalt  }
0x81: {  	_ =	shalt  }
0x82: {  	_ =	shalt  }
0x83: {  	_ =	shalt  }
0x84: {  	_ =	shalt  }
0x85: {  	_ =	shalt  }
0x86: {  	_ =	shalt  }
0x87: {  	_ =	shalt  }
.Lfunc_end0:
.L_simem_size_0:
called_computation.1_lowered:
.L_overlay_start_0:
0x88: {  	s2 =	sld [smem:$0x3FD9]  }
0x89: {  	s3 =	sld [smem:$0x3FFE];
	_ =	sdelay $0x1  }
0x8a: {  	s1 =	srdreg.scid  }
0x8b: {  	s0 =	sand.u32 $0x1, s1  }
0x8c: {  	s16 =	sshll.u32 s0, $0xA;
	s2 =	sadd.s32 s3, s2  }
0x8d: {  	s2 =	sadd.s32 s2, s16  }
0x8e: {  	[smem:$0x3FBB] =	sst s2  }
0x8f: {  	_ = 	snop  }
0x90: {  	(tm) =	ssettm $0x1  }
0x91: {  	s17 =	sld [smem:$0x3FFB];
	_ =	sdelay $0x3  }
0x92: {  	_ =	strace s17  }
0x93: {  	s2 =	sld [smem:$0x3FFC];
	_ =	sdelay $0x3  }
0x94: {  	_ =	strace s2  }
0x95: {  	s2 =	sld [smem:$0x3FFD];
	_ =	sdelay $0x3  }
0x96: {  	_ =	strace s2  }
0x97: {  	_ =	strace $0x8FFFFFFF  }
0x98: {  	s18 =	sld [smem:$0x3FDB];
	_ =	sdelay $0x1  }
0x99: {  	s19 =	simm.s32 $_scs_section_size  }
0x9a: {  	s4 =	simm.s32 $_size__tile_overlayer_lowered;
	s5 =	simm.s32 $_tile_overlayer_lowered  }
0x9b: {  	s22 =	simm.s32 $0x1BFF;
	s21 =	sshll.u32 s5, $0x1;
	s2 =	sadd.s32 s19, s18  }
0x9c: {  	s6 =	simm.s32 $0x0;
	s20 =	sshll.u32 s4, $0x1;
	s4 =	sadd.s32 s21, s2  }
0x9d: {  	[timem:s6], [sflag:s22] =	dma.local [hbm:s4], s20  }
0x9e: {  	_ =	swait.ge [sflag:s22], s20  }
0x9f: {  	s3 =	ssub.s32 $0x0, s20;
	[sflag:s22] =	ssyncset.done $0x0  }
0xa0: {  	[sflag:s22] =	ssyncadd.s32 s3;
	_ =	sdelay $0x1  }
0xa1: {  	s23 =	simm.s32 $0x1B8B  }
0xa2: {  	_ =	swait.ge [sflag:s23], $0x1  }
0xa3: {  	[sflag:s23] =	ssyncset.done $0x0  }
0xa4: {  	s25 =	simm.s32 $0x1B8E;
	s24 =	sld [smem:$0x3FFE];
	[sflag:s23] =	ssyncadd.s32 $0xFFFFFFFF  }
0xa5: {  	s26 =	simm.s32 $execute0_lowered;
	[smem:$0x3FD2] =	sst s25  }
0xa6: {  	s4 =	sshll.u32 s26, $0x1;
	_ =	strace $0x80000049;
	[dreg:$0x1] =	wrdreg $0xFFFFFFFF  }
0xa7: {  	s28 =	simm.s32 $_size_execute0_lowered;
	s2 =	sadd.s32 s2, s4;
	[dreg:$0x0] =	wrdreg $0x0  }
0xa8: {  	s4 =	sshll.u32 s28, $0x1;
	[dreg:$0x2] =	wrdreg s2  }
0xa9: {  	[dreg:$0x3] =	wrdreg s4  }
0xaa: {  	[dreg:$0x4] =	wrdreg $0xC0  }
0xab: {  	_ =	task [dreg:s6], $0x5FFFF  }
0xac: {  	[dreg:$0x1] =	wrdreg $0xFFFFFFFF  }
0xad: {  	[dreg:$0x0] =	wrdreg $0x60  }
0xae: {  	[dreg:$0x2] =	wrdreg s24  }
0xaf: {  	[dreg:$0x3] =	wrdreg $0x60000  }
0xb0: {  	[dreg:$0x4] =	wrdreg $0x9  }
0xb1: {  	_ =	task.clear_ibuf [dreg:s6], $0x5FFFF;
	_ =	strace $0x90000049  }
0xb2: {  	s29 =	simm.s32 $0x9;
	_ =	strace $0x8000004B  }
0xb3: {  	_ =	swait.ge [sflag:s29], $0x1  }
0xb4: {  	[sflag:s29] =	ssyncadd.s32 $0xFFFFFFFF  }
0xb5: {  	_ =	strace $0x9000004B  }
0xb6: {  	_ =	sfence  }
0xb7: {  	s30 =	sld [smem:$0x0];
	_ =	sdelay $0x2  }
0xb8: {  	s31 =	sshll.u32 s1, $0xD;
	s1 =	sshrl.u32 s1, $0x2  }
0xb9: {  	s3 =	sand.u32 $0x4000, s31;
	s1 =	sadd.s32 s1, s30  }
0xba: {  	s0 =	sor.u32 s3, s0;
	s1 =	sshll.u32 s1, $0x11  }
0xbb: {  	s0 =	sor.u32 s1, s0  }
0xbc: {  	s0 =	sadd.s32 $0x8F2B, s0  }
0xbd: {  	[sflag:s0] =	ssyncadd.remote.s32 $0x1  }
0xbe: {  	_ =	sfence.sel $0xFFFF  }
0xbf: {  	[dreg:$0x0] =	wrdreg $0xFFFFFFFF;
	(pc) =	sbr.abs _section_cstart, $3  }
0xc0: {  	[dreg:$0x1] =	wrdreg $0xFFFFFFFF  }
0xc1: {  	_ =	task.clear_ibuf [dreg:s6], $0x2FFFF;
	_ =	strace $0x9FFFFFFF  }
0xc2: {  	(tm) =	ssettm $0x7FFFFFFF  }
0xc3: {  	_ =	shalt  }
tec
execute0_lowered:
.L_overlay_start_1:
0x0: {  	(tag) =	ssettag $0x1  }
0x1: {  	s6 =	rddreg [dreg:$0x0]  }
0x2: {  	s2 =	rddreg [dreg:$0x1]  }
0x3: {  	s0 =	srdreg.scid;
	s1 =	rddreg [dreg:$0x2]  }
0x4: {  	s3 =	simm.s32 $0x0;
	s10 =	simm.s32 $0x1100;
	s4 =	sand.u32 $0x1, s0  }
0x5: {  	s11 =	simm.s32 $0x2;
	s0 =	stileid.u32;
	s5 =	smul.u32 $0x27800, s4  }
0x6: {  	s12 =	simm.s32 $0x80;
	s13 =	simm.s32 $0x100;
	s7 =	smul.u32 $0x2780, s0  }
0x7: {  	s14 =	simm.s32 $0x1;
	s15 =	simm.s32 $0x0;
	s8 =	smul.u32 $0x4F00, s0  }
0x8: {  	[smem:$0x7FF] =	sst s3;
	s9 =	smul.u32 $0x4F000, s4;
	s30 =	ssub.s32 $0x2, s4  }
0x9: {  	_ =	strace $0x8000004A;
	s4 =	sadd.s32 $0xAA00, s6;
	s31 =	sshrl.u32 s30, $0x1  }
0xa: {  	s5 =	sadd.s32 s7, s5;
	s26 =	sadd.s32 s8, s9;
	s7 =	ssub.s32 s30, s31  }
0xb: {  	s5 =	sshrl.u32 s5, $0x3;
	s29 =	sshrl.u32 s26, $0x3;
	s7 =	smax.u32 s7, $0x1  }
0xc: {  	s28 =	sadd.s32 s5, s6;
	s6 =	sadd.s32 s29, s6;
	s5 =	sadd.s32 s8, s2  }
0xd: {  	v0 =	vimm.f32 $0.0e+00;
	s6 =	sadd.s32 $0x1E600, s6;
	s8 =	sadd.s32 $0xC00, s28;
	s9 =	sadd.s32 $0x14800, s28  }
.LBB2_1:
0xe: {  	s16 =	simm.s32 $0x80;
	s17 =	simm.s32 $0x0  }
.LBB2_2:
0xf: {  	p0 =	sne.s32 s16, $0x13B80;
	[tilespmem:s17+$0x1100] =	vst v0;
	s18 =	smov.u32 s16;
	s16 =	sadd.s32 $0x80, s16  }
.Ltmp0:
0x10: {  	[tilespmem:s17+$0x1110] =	vst v0;
	(pc) =	sbr.rel @p0 .LBB2_2-.Ltmp0, $2  }
0x11: {  	_ =	sdelay $0x2  }
0x12: {  	s17 =	sshra.s32 s18, $0x2  }
0x13: {  	[tilespmem:s17+$0x1100] =	vst v0  }
0x14: {  	[tilespmem:s17+$0x1110] =	vst v0  }
0x15: {  	[spmem:s5] =	stream.linear.scatter [tilespmem:s10], [sflag:$0x2], $0x4F00, $0x38;
	[tilespmem:$0xAF00] =	vst v63  }
0x16: {  	_ =	swait.ge [sflag:s11], $0x4F00  }
0x17: {  	[sflag:s11] =	ssyncset.done $0x0  }
0x18: {  	[sflag:s11] =	ssyncadd.s32 $0xFFFFB100  }
0x19: {  	s16 =	sadd.s32 $0x0, s9;
	[bflag:$0x0] =	sbarrier.arrive $0xFFFF  }
0x1a: {  	[tilespmem:s3], [sflag:$0x2] =	stream.linear.gather [hbm4b:s16+s3], $0x80, $0x38;
	[tilespmem:$0xAF00] =	vst v63  }
0x1b: {  	_ =	swait.ge [sflag:s11], $0x80  }
0x1c: {  	[sflag:s11] =	ssyncset.done $0x0  }
0x1d: {  	s31 =	sadd.s32 $0x0, s8;
	[sflag:s11] =	ssyncadd.s32 $0xFFFFFF80  }
0x1e: {  	[tilespmem:s12], [sflag:$0x2] =	stream.linear.gather [hbm4b:s31+s3], $0x80, $0x38;
	[tilespmem:$0xAF00] =	vst v63  }
0x1f: {  	_ =	swait.ge [sflag:s11], $0x80  }
0x20: {  	[sflag:s11] =	ssyncset.done $0x0  }
0x21: {  	[sflag:s11] =	ssyncadd.s32 $0xFFFFFF80  }
0x22: {  	[tilespmem:s13], [sflag:$0x1] =	stream.indirect.gather [hbm4b:s4+s12], $0x20, s3, s12, $0xb8;
	[tilespmem:$0xAF00] =	vst v63  }
0x23: {  	_ =	swait.ge [sflag:s14], $0x1000  }
0x24: {  	[sflag:s14] =	ssyncset.done $0x0  }
0x25: {  	[sflag:s14] =	ssyncadd.s32 $0xFFFFF000  }
0x26: {  	[spmem:s2] =	stream.indirect.scatter.add.f32 [tilespmem:s13], [sflag:$0x2], $0x20, s12, s12, $0xb8;
	[tilespmem:$0xAF00] =	vst v63  }
0x27: {  	_ =	swait.ge [sflag:s11], $0x1000  }
0x28: {  	s17 =	simm.s32 $0x20;
	s16 =	simm.s32 $0x10;
	[sflag:s11] =	ssyncset.done $0x0  }
.LBB2_4:
0x29: {  	s18 =	sadd.s32 s16, s9  }
0x2a: {  	[sflag:s11] =	ssyncadd.s32 $0xFFFFF000;
	s19 =	smov.u32 s17;
	s20 =	sadd.s32 $0x10, s17  }
0x2b: {  	[tilespmem:s3], [sflag:$0x2] =	stream.linear.gather [hbm4b:s18+s3], $0x80, $0x38;
	[tilespmem:$0xAF00] =	vst v63  }
0x2c: {  	p0 =	sne.s32 s17, $0x4E0;
	_ =	swait.ge [sflag:s11], $0x80  }
0x2d: {  	[sflag:s11] =	ssyncset.done $0x0  }
0x2e: {  	s17 =	sadd.s32 s16, s8;
	s16 =	smov.u32 s19;
	[sflag:s11] =	ssyncadd.s32 $0xFFFFFF80  }
0x2f: {  	[tilespmem:s12], [sflag:$0x2] =	stream.linear.gather [hbm4b:s17+s3], $0x80, $0x38;
	[tilespmem:$0xAF00] =	vst v63  }
0x30: {  	_ =	swait.ge [sflag:s11], $0x80  }
0x31: {  	[sflag:s11] =	ssyncset.done $0x0  }
0x32: {  	[sflag:s11] =	ssyncadd.s32 $0xFFFFFF80  }
0x33: {  	[tilespmem:s13], [sflag:$0x1] =	stream.indirect.gather [hbm4b:s4+s12], $0x20, s3, s12, $0xb8;
	[tilespmem:$0xAF00] =	vst v63  }
0x34: {  	_ =	swait.ge [sflag:s14], $0x1000  }
.Ltmp1:
0x35: {  	[sflag:s14] =	ssyncset.done $0x0;
	(pc) =	sbr.rel @p0 .LBB2_4-.Ltmp1, $4  }
0x36: {  	[sflag:s14] =	ssyncadd.s32 $0xFFFFF000  }
0x37: {  	[spmem:s2] =	stream.indirect.scatter.add.f32 [tilespmem:s13], [sflag:$0x2], $0x20, s12, s12, $0xb8;
	[tilespmem:$0xAF00] =	vst v63  }
0x38: {  	_ =	swait.ge [sflag:s11], $0x1000  }
0x39: {  	s17 =	smov.u32 s20;
	[sflag:s11] =	ssyncset.done $0x0  }
0x3a: {  	s17 =	sadd.s32 s16, s9;
	[sflag:s11] =	ssyncadd.s32 $0xFFFFF000  }
0x3b: {  	[tilespmem:s3], [sflag:$0x2] =	stream.linear.gather [hbm4b:s17+s3], $0x80, $0x38;
	[tilespmem:$0xAF00] =	vst v63  }
0x3c: {  	_ =	swait.ge [sflag:s11], $0x80  }
0x3d: {  	[sflag:s11] =	ssyncset.done $0x0  }
0x3e: {  	s31 =	sadd.s32 s16, s8;
	[sflag:s11] =	ssyncadd.s32 $0xFFFFFF80  }
0x3f: {  	[tilespmem:s12], [sflag:$0x2] =	stream.linear.gather [hbm4b:s31+s3], $0x80, $0x38;
	[tilespmem:$0xAF00] =	vst v63  }
0x40: {  	_ =	swait.ge [sflag:s11], $0x80  }
0x41: {  	[sflag:s11] =	ssyncset.done $0x0  }
0x42: {  	[sflag:s11] =	ssyncadd.s32 $0xFFFFFF80  }
0x43: {  	[tilespmem:s13], [sflag:$0x1] =	stream.indirect.gather [hbm4b:s4+s12], $0x20, s3, s12, $0xb8;
	[tilespmem:$0xAF00] =	vst v63  }
0x44: {  	_ =	swait.ge [sflag:s14], $0x1000  }
0x45: {  	[sflag:s14] =	ssyncset.done $0x0  }
0x46: {  	[sflag:s14] =	ssyncadd.s32 $0xFFFFF000  }
0x47: {  	[spmem:s2] =	stream.indirect.scatter.add.f32 [tilespmem:s13], [sflag:$0x2], $0x20, s12, s12, $0xb8;
	[tilespmem:$0xAF00] =	vst v63  }
0x48: {  	_ =	swait.ge [sflag:s11], $0x1000  }
0x49: {  	[sflag:s11] =	ssyncset.done $0x0  }
0x4a: {  	[sflag:s11] =	ssyncadd.s32 $0xFFFFF000  }
0x4b: {  	[bflag:$0x0] =	sbarrier.arrive $0xFFFF  }
0x4c: {  	[tilespmem:s10], [sflag:$0x2] =	stream.linear.gather [spmem:s5], $0x4F00, $0x38;
	[tilespmem:$0xAF00] =	vst v63  }
0x4d: {  	s15 =	sadd.s32 $0x1, s15;
	_ =	swait.ge [sflag:s11], $0x4F00  }
0x4e: {  	p0 =	sne.s32 s15, s7;
	[sflag:s11] =	ssyncset.done $0x0  }
.Ltmp2:
0x4f: {  	[sflag:s11] =	ssyncadd.s32 $0xFFFFB100;
	(pc) =	sbr.rel @p0 .LBB2_1-.Ltmp2, $4  }
0x50: {  	[hbm4b:s6+s3] =	stream.linear.scatter [tilespmem:s10], [sflag:$0x2], $0x4F00, $0x38;
	[tilespmem:$0xAF00] =	vst v63  }
0x51: {  	_ =	swait.ge [sflag:s11], $0x4F00  }
0x52: {  	[sflag:s11] =	ssyncset.done $0x0  }
0x53: {  	[sflag:s11] =	ssyncadd.s32 $0xFFFFB100  }
0x54: {  	_ =	sfence.sel $0x180000  }
0x55: {  	[bflag:$0x0] =	sbarrier.arrive $0xFFFF  }
0x56: {  	p0 =	sne.s32 s0, $0x0;
	_ =	strace $0x9000004A  }
0x57: {  	s0 =	sadd.s32 @!p0 $0x100000, s1;
	[bflag:$0x2] =	sbarrier.arrive $0xFFFF  }
0x58: {  	[sflag:s0] =	ssyncadd.tile.s32 @!p0 $0x1;
	_ =	shalt  }
.Lfunc_end2:
_tile_overlayer_lowered:
.L_overlay_start_2:
0x59: {  	(tag) =	ssettag $0x2  }
0x5a: {  	s0 =	rddreg [dreg:$0x0];
	s2 =	stileid.u32  }
0x5b: {  	s1 =	rddreg [dreg:$0x1];
	p0 =	sne.s32 s2, $0x0  }
0x5c: {  	s3 =	rddreg [dreg:$0x2];
	[bflag:$0x3] =	sbarrier.arrive $0xFFFF;
	s2 =	simm.s32 @!p0 $0x1C02  }
0x5d: {  	[timem:s3], [sflag:s2] =	dma.local @!p0 [hbm:s0], s1  }
0x5e: {  	s0 =	simm.s32 @!p0 $0x2  }
0x5f: {  	_ =	swait.ge @!p0 [sflag:s0], s1  }
0x60: {  	s1 =	ssub.s32 @!p0 $0x0, s1;
	[sflag:s0] =	ssyncset.done @!p0 $0x0  }
0x61: {  	[sflag:s0] =	ssyncadd.s32 @!p0 s1  }
0x62: {  	[bflag:$0x3] =	sbarrier.arrive $0xFFFF  }
0x63: {  	_ =	shalt  }

</sc_bundles>
